<compile_context>
chip_gen: v7x
topology: tpu7x:2x2x1
jax: 0.10.2.dev20260603
libtpu: 0.0.44.dev20260713+nightly
codegen_flags: <defaults>
</compile_context>

<pallas_src>
import functools

import jax
import jax.numpy as jnp
from jax import lax
from jax.experimental import pallas as pl
from jax.experimental.pallas import tpu as pltpu
from jax.experimental.pallas import tpu_sc as plsc

N_NODES = 10000
N_EDGES = 320000
D = 128

NC = 2
NS = 16
NW = NC * NS
CHUNK = 128
NCH = 80
EPW = NCH * CHUNK
E_PAD = NW * EPW
N_PAD = 10240
RPS = N_PAD // NS
DUMP_ROW = N_PAD - 1

_mesh = plsc.VectorSubcoreMesh(core_axis_name="c", subcore_axis_name="s")


def _seg_sum_body(with_counts, *refs):
    if with_counts:
        (y_hbm, src_hbm, dst_hbm, z2d_hbm, z1d_hbm, ones_hbm,
         out_hbm, cnt_hbm,
         src_vm, dst_vm, rows_v, ones_v,
         acc, cntacc, sem) = refs
    else:
        (y_hbm, src_hbm, dst_hbm, z2d_hbm,
         out_hbm,
         src_vm, dst_vm, rows_v,
         acc, sem) = refs

    cid = lax.axis_index("c")
    sid = lax.axis_index("s")
    wid = cid * NS + sid

    stripe = pl.ds(sid * RPS, RPS)
    pltpu.sync_copy(z2d_hbm.at[stripe], acc.at[stripe])
    if with_counts:
        pltpu.sync_copy(z1d_hbm.at[stripe], cntacc.at[stripe])
        pltpu.sync_copy(ones_hbm, ones_v)
    pltpu.sync_copy(src_hbm.at[wid], src_vm)
    pltpu.sync_copy(dst_hbm.at[wid], dst_vm)
    plsc.subcore_barrier()

    def chunk(j, carry):
        pltpu.async_copy(y_hbm.at[src_vm.at[j]], rows_v, sem).wait()
        pltpu.sync_copy(rows_v, acc.at[dst_vm.at[j]], add=True)
        if with_counts:
            pltpu.sync_copy(ones_v, cntacc.at[dst_vm.at[j]], add=True)
        return carry

    lax.fori_loop(0, NCH, chunk, 0)

    plsc.subcore_barrier()

    pltpu.sync_copy(acc.at[stripe], out_hbm.at[cid, stripe])
    if with_counts:
        pltpu.sync_copy(cntacc.at[stripe], cnt_hbm.at[cid, stripe])


_seg_sum_counts = pl.kernel(
    functools.partial(_seg_sum_body, True),
    out_type=(jax.ShapeDtypeStruct((NC, N_PAD, D), jnp.float32),
              jax.ShapeDtypeStruct((NC, N_PAD), jnp.float32)),
    mesh=_mesh,
    scratch_types=[
        pltpu.VMEM((NCH, CHUNK), jnp.int32),
        pltpu.VMEM((NCH, CHUNK), jnp.int32),
        pltpu.VMEM((CHUNK, D), jnp.float32),
        pltpu.VMEM((CHUNK,), jnp.float32),
        pltpu.VMEM_SHARED((N_PAD, D), jnp.float32),
        pltpu.VMEM_SHARED((N_PAD,), jnp.float32),
        pltpu.SemaphoreType.DMA,
    ],
)

_seg_sum_plain = pl.kernel(
    functools.partial(_seg_sum_body, False),
    out_type=jax.ShapeDtypeStruct((NC, N_PAD, D), jnp.float32),
    mesh=_mesh,
    scratch_types=[
        pltpu.VMEM((NCH, CHUNK), jnp.int32),
        pltpu.VMEM((NCH, CHUNK), jnp.int32),
        pltpu.VMEM((CHUNK, D), jnp.float32),
        pltpu.VMEM_SHARED((N_PAD, D), jnp.float32),
        pltpu.SemaphoreType.DMA,
    ],
)



BLK = 2000
GRID = N_NODES // BLK


def _mm2_body(x_ref, wa_ref, wb_ref, ya_ref, yb_ref):
    x = x_ref[...]
    ya_ref[...] = jnp.dot(x, wa_ref[...], preferred_element_type=jnp.float32)
    yb_ref[...] = jnp.dot(x, wb_ref[...], preferred_element_type=jnp.float32)


_mm2 = pl.pallas_call(
    _mm2_body,
    grid=(GRID,),
    in_specs=[
        pl.BlockSpec((BLK, D), lambda i: (i, 0)),
        pl.BlockSpec((D, D), lambda i: (0, 0)),
        pl.BlockSpec((D, D), lambda i: (0, 0)),
    ],
    out_specs=[
        pl.BlockSpec((BLK, D), lambda i: (i, 0)),
        pl.BlockSpec((BLK, D), lambda i: (i, 0)),
    ],
    out_shape=[jax.ShapeDtypeStruct((N_NODES, D), jnp.float32),
               jax.ShapeDtypeStruct((N_NODES, D), jnp.float32)],
)


def _mid_body(s0_ref, s1_ref, c0_ref, c1_ref, bl_ref, r_ref,
              wa_ref, wb_ref, ya_ref, yb_ref):
    cnt = jnp.maximum(c0_ref[0] + c1_ref[0], 1.0)
    h = (s0_ref[0] + s1_ref[0]) / cnt + bl_ref[...] + r_ref[...]
    h = jnp.maximum(h, 0.0)
    ya_ref[...] = jnp.dot(h, wa_ref[...], preferred_element_type=jnp.float32)
    yb_ref[...] = jnp.dot(h, wb_ref[...], preferred_element_type=jnp.float32)


_mid = pl.pallas_call(
    _mid_body,
    grid=(GRID,),
    in_specs=[
        pl.BlockSpec((1, BLK, D), lambda i: (0, i, 0)),
        pl.BlockSpec((1, BLK, D), lambda i: (1, i, 0)),
        pl.BlockSpec((1, BLK, 1), lambda i: (0, i, 0)),
        pl.BlockSpec((1, BLK, 1), lambda i: (1, i, 0)),
        pl.BlockSpec((1, D), lambda i: (0, 0)),
        pl.BlockSpec((BLK, D), lambda i: (i, 0)),
        pl.BlockSpec((D, D), lambda i: (0, 0)),
        pl.BlockSpec((D, D), lambda i: (0, 0)),
    ],
    out_specs=[
        pl.BlockSpec((BLK, D), lambda i: (i, 0)),
        pl.BlockSpec((BLK, D), lambda i: (i, 0)),
    ],
    out_shape=[jax.ShapeDtypeStruct((N_NODES, D), jnp.float32),
               jax.ShapeDtypeStruct((N_NODES, D), jnp.float32)],
)


def _fin_body(s0_ref, s1_ref, c0_ref, c1_ref, bl_ref, r_ref,
              wo_ref, bo_ref, o_ref):
    cnt = jnp.maximum(c0_ref[0] + c1_ref[0], 1.0)
    h = (s0_ref[0] + s1_ref[0]) / cnt + bl_ref[...] + r_ref[...]
    h = jnp.maximum(h, 0.0)
    o_ref[...] = jnp.dot(h, wo_ref[...], preferred_element_type=jnp.float32) + bo_ref[...]


_fin = pl.pallas_call(
    _fin_body,
    grid=(GRID,),
    in_specs=[
        pl.BlockSpec((1, BLK, D), lambda i: (0, i, 0)),
        pl.BlockSpec((1, BLK, D), lambda i: (1, i, 0)),
        pl.BlockSpec((1, BLK, 1), lambda i: (0, i, 0)),
        pl.BlockSpec((1, BLK, 1), lambda i: (1, i, 0)),
        pl.BlockSpec((1, D), lambda i: (0, 0)),
        pl.BlockSpec((BLK, D), lambda i: (i, 0)),
        pl.BlockSpec((D, 1), lambda i: (0, 0)),
        pl.BlockSpec((1, 1), lambda i: (0, 0)),
    ],
    out_specs=pl.BlockSpec((BLK, 1), lambda i: (i, 0)),
    out_shape=jax.ShapeDtypeStruct((N_NODES, 1), jnp.float32),
)


def kernel(x, edge_index, Wl1, bl1, Wr1, Wl2, bl2, Wr2, Wo, bo):
    src = edge_index[0].astype(jnp.int32)
    dst = edge_index[1].astype(jnp.int32)
    npad = E_PAD - N_EDGES
    srcp = jnp.concatenate([src, jnp.zeros((npad,), jnp.int32)]).reshape(NW, NCH, CHUNK)
    dstp = jnp.concatenate([dst, jnp.full((npad,), DUMP_ROW, jnp.int32)]).reshape(NW, NCH, CHUNK)
    z2d = jnp.zeros((N_PAD, D), jnp.float32)
    z1d = jnp.zeros((N_PAD,), jnp.float32)
    ones = jnp.ones((CHUNK,), jnp.float32)

    y1, r1 = _mm2(x, Wl1, Wr1)
    s1, cnt = _seg_sum_counts(y1, srcp, dstp, z2d, z1d, ones)
    cnt3 = cnt.reshape(NC, N_PAD, 1)
    y2, r2 = _mid(s1, s1, cnt3, cnt3, bl1.reshape(1, D), r1, Wl2, Wr2)
    s2 = _seg_sum_plain(y2, srcp, dstp, z2d)
    out = _fin(s2, s2, cnt3, cnt3, bl2.reshape(1, D), r2,
               Wo, bo.reshape(1, 1))
    return out.reshape(N_NODES)

# --- scband reference (transcript-rebuilt; emitter-appended) ---
"""Pipeline reference for scband-graph-sage-68453188763778 (READ-ONLY COPY).

The authoritative reference and input builder live on the scoring server;
editing this copy changes nothing except your own understanding.
"""

import jax, jax.numpy as jnp
import numpy as np

N_NODES = 10000
N_EDGES = 320000
D_IN = 128
D_HID = 128


def _glorot(key, shape):
    fan_in, fan_out = shape[0], shape[1]
    limit = np.sqrt(6.0 / (fan_in + fan_out))
    return jax.random.uniform(key, shape, dtype=jnp.float32, minval=-limit, maxval=limit)


def setup_inputs(seed: int = 0) -> dict:
    key = jax.random.key(seed)
    ks = jax.random.split(key, 10)
    x = jax.random.normal(ks[0], (N_NODES, D_IN), dtype=jnp.float32)
    edge_index = jax.random.randint(ks[1], (2, N_EDGES), 0, N_NODES, dtype=jnp.int64) if jax.config.jax_enable_x64 else jax.random.randint(ks[1], (2, N_EDGES), 0, N_NODES).astype(jnp.int32)
    # SAGEConv layer 1: lin_l (neighbor aggregate, with bias), lin_r (root, no bias)
    Wl1 = _glorot(ks[2], (D_IN, D_HID))
    bl1 = jnp.zeros((D_HID,), dtype=jnp.float32)
    Wr1 = _glorot(ks[3], (D_IN, D_HID))
    # SAGEConv layer 2
    Wl2 = _glorot(ks[4], (D_HID, D_HID))
    bl2 = jnp.zeros((D_HID,), dtype=jnp.float32)
    Wr2 = _glorot(ks[5], (D_HID, D_HID))
    # final Linear(hidden, 1)
    Wo = _glorot(ks[6], (D_HID, 1))
    bo = jnp.zeros((1,), dtype=jnp.float32)
    return {"x": x, "edge_index": edge_index, "Wl1": Wl1, "bl1": bl1, "Wr1": Wr1,
            "Wl2": Wl2, "bl2": bl2, "Wr2": Wr2, "Wo": Wo, "bo": bo}


def _sage_conv(x, src, dst, Wl, bl, Wr, n_nodes):
    # message = x[src]; mean-aggregate at dst (PyG SAGEConv default aggr='mean')
    msg = jnp.take(x, src, axis=0)
    agg_sum = jax.ops.segment_sum(msg, dst, num_segments=n_nodes)
    cnt = jax.ops.segment_sum(jnp.ones((src.shape[0],), dtype=x.dtype), dst, num_segments=n_nodes)
    agg = agg_sum / jnp.clip(cnt, 1.0, None)[:, None]
    # out = lin_l(agg) + lin_r(x)
    return agg @ Wl + bl + x @ Wr


def reference(x, edge_index, Wl1, bl1, Wr1, Wl2, bl2, Wr2, Wo, bo):
    src = edge_index[0]
    dst = edge_index[1]
    n_nodes = x.shape[0]
    h = jax.nn.relu(_sage_conv(x, src, dst, Wl1, bl1, Wr1, n_nodes))
    # dropout p=0.0 / eval mode -> identity
    h = jax.nn.relu(_sage_conv(h, src, dst, Wl2, bl2, Wr2, n_nodes))
    out = h @ Wo + bo
    return out.squeeze(-1)

if __name__ == "__main__":
    import jax
    _d = setup_inputs()
    print(jax.jit(kernel)(*tuple(_d.values())))

</pallas_src>

<mosaic_0001>
#map = affine_map<(d0, d1) -> (0, 0)>
#map1 = affine_map<(d0, d1) -> (0, 0, 0)>
module attributes {stable_mosaic.version = 14 : i64} {
  func.func @_seg_sum_body(%arg0: i32, %arg1: i32, %arg2: memref<10000x128xf32, #tpu.memory_space<hbm>>, %arg3: memref<32x80x128xi32, #tpu.memory_space<hbm>>, %arg4: memref<32x80x128xi32, #tpu.memory_space<hbm>>, %arg5: memref<10240x128xf32, #tpu.memory_space<hbm>>, %arg6: memref<2x10240x128xf32, #tpu.memory_space<hbm>>, %arg7: memref<80x128xi32, #tpu.memory_space<vmem>>, %arg8: memref<80x128xi32, #tpu.memory_space<vmem>>, %arg9: memref<128x128xf32, #tpu.memory_space<vmem>>, %arg10: memref<10240x128xf32, #tpu.memory_space<vmem_shared>>, %arg11: memref<!tpu.dma_semaphore, #tpu.memory_space<semaphore_mem>>) attributes {dimension_semantics = [#tpu.dimension_semantics<core_parallel>, #tpu.dimension_semantics<subcore_parallel>], iteration_bounds = array<i64: 2, 16>, scalar_prefetch = 0 : i64, scratch_operands = 5 : i64, tpu.core_type = #tpu.core_type<sc_vector_subcore>, window_params = [{transform_indices = #map}, {transform_indices = #map1}, {transform_indices = #map1}, {transform_indices = #map}, {transform_indices = #map1}]} {
    %mul3A = arith.constant 16 : i32
    %mul3A_0 = arith.muli %arg0, %mul3A : i32
    %add3A = arith.addi %mul3A_0, %arg1 : i32
    %mul3A_1 = arith.constant 640 : i32
    %mul3A_2 = arith.muli %arg1, %mul3A_1 : i32
    "tpu.region"() ({
      %run_scoped3A = tpu.sem_alloc : memref<!tpu.dma_semaphore, #tpu.memory_space<semaphore_mem>>
      %dma_start3A = arith.constant 0 : i32
      %dma_start3A_9 = tpu.memref_slice %arg10[%mul3A_2, %dma_start3A] : memref<10240x128xf32, #tpu.memory_space<vmem_shared>> -> memref<640x128xf32, #tpu.memory_space<vmem_shared>>
      %dma_start3A_10 = arith.constant 0 : i32
      %dma_start3A_11 = tpu.memref_slice %arg5[%mul3A_2, %dma_start3A_10] : memref<10240x128xf32, #tpu.memory_space<hbm>> -> memref<640x128xf32, #tpu.memory_space<hbm>>
      tpu.enqueue_dma source(%dma_start3A_11 : memref<640x128xf32, #tpu.memory_space<hbm>>) target(%dma_start3A_9 : memref<640x128xf32, #tpu.memory_space<vmem_shared>>) target_semaphore(%run_scoped3A : memref<!tpu.dma_semaphore, #tpu.memory_space<semaphore_mem>>)
      %dma_wait3A = arith.constant 0 : i32
      %dma_wait3A_12 = tpu.memref_slice %arg10[%mul3A_2, %dma_wait3A] : memref<10240x128xf32, #tpu.memory_space<vmem_shared>> -> memref<640x128xf32, #tpu.memory_space<vmem_shared>>
      %dma_wait3A_13 = arith.constant 0 : i32
      %dma_wait3A_14 = tpu.memref_slice %arg5[%mul3A_2, %dma_wait3A_13] : memref<10240x128xf32, #tpu.memory_space<hbm>> -> memref<640x128xf32, #tpu.memory_space<hbm>>
      tpu.wait_dma2 semaphore(%run_scoped3A : memref<!tpu.dma_semaphore, #tpu.memory_space<semaphore_mem>>) src(%dma_wait3A_14 : memref<640x128xf32, #tpu.memory_space<hbm>>) dst(%dma_wait3A_12 : memref<640x128xf32, #tpu.memory_space<vmem_shared>>)
      tpu.yield
    }) : () -> ()
    "tpu.region"() ({
      %run_scoped3A = tpu.sem_alloc : memref<!tpu.dma_semaphore, #tpu.memory_space<semaphore_mem>>
      %dma_start3A = arith.constant 0 : i32
      %dma_start3A_9 = arith.constant 0 : i32
      %dma_start3A_10 = tpu.memref_slice %arg3[%add3A, %dma_start3A, %dma_start3A_9] : memref<32x80x128xi32, #tpu.memory_space<hbm>> -> memref<1x80x128xi32, #tpu.memory_space<hbm>>
      %dma_start3A_11 = tpu.memref_squeeze %dma_start3A_10 : memref<1x80x128xi32, #tpu.memory_space<hbm>> -> memref<80x128xi32, #tpu.memory_space<hbm>>
      %dma_start3A_12 = arith.constant 0 : i32
      %dma_start3A_13 = arith.constant 0 : i32
      %dma_start3A_14 = tpu.memref_slice %arg3[%add3A, %dma_start3A_12, %dma_start3A_13] : memref<32x80x128xi32, #tpu.memory_space<hbm>> -> memref<1x80x128xi32, #tpu.memory_space<hbm>>
      %dma_start3A_15 = tpu.memref_squeeze %dma_start3A_14 : memref<1x80x128xi32, #tpu.memory_space<hbm>> -> memref<80x128xi32, #tpu.memory_space<hbm>>
      tpu.enqueue_dma source(%dma_start3A_15 : memref<80x128xi32, #tpu.memory_space<hbm>>) target(%arg7 : memref<80x128xi32, #tpu.memory_space<vmem>>) target_semaphore(%run_scoped3A : memref<!tpu.dma_semaphore, #tpu.memory_space<semaphore_mem>>)
      %dma_wait3A = arith.constant 0 : i32
      %dma_wait3A_16 = arith.constant 0 : i32
      %dma_wait3A_17 = tpu.memref_slice %arg3[%add3A, %dma_wait3A, %dma_wait3A_16] : memref<32x80x128xi32, #tpu.memory_space<hbm>> -> memref<1x80x128xi32, #tpu.memory_space<hbm>>
      %dma_wait3A_18 = tpu.memref_squeeze %dma_wait3A_17 : memref<1x80x128xi32, #tpu.memory_space<hbm>> -> memref<80x128xi32, #tpu.memory_space<hbm>>
      %dma_wait3A_19 = arith.constant 0 : i32
      %dma_wait3A_20 = arith.constant 0 : i32
      %dma_wait3A_21 = tpu.memref_slice %arg3[%add3A, %dma_wait3A_19, %dma_wait3A_20] : memref<32x80x128xi32, #tpu.memory_space<hbm>> -> memref<1x80x128xi32, #tpu.memory_space<hbm>>
      %dma_wait3A_22 = tpu.memref_squeeze %dma_wait3A_21 : memref<1x80x128xi32, #tpu.memory_space<hbm>> -> memref<80x128xi32, #tpu.memory_space<hbm>>
      tpu.wait_dma2 semaphore(%run_scoped3A : memref<!tpu.dma_semaphore, #tpu.memory_space<semaphore_mem>>) src(%dma_wait3A_22 : memref<80x128xi32, #tpu.memory_space<hbm>>) dst(%arg7 : memref<80x128xi32, #tpu.memory_space<vmem>>)
      tpu.yield
    }) : () -> ()
    "tpu.region"() ({
      %run_scoped3A = tpu.sem_alloc : memref<!tpu.dma_semaphore, #tpu.memory_space<semaphore_mem>>
      %dma_start3A = arith.constant 0 : i32
      %dma_start3A_9 = arith.constant 0 : i32
      %dma_start3A_10 = tpu.memref_slice %arg4[%add3A, %dma_start3A, %dma_start3A_9] : memref<32x80x128xi32, #tpu.memory_space<hbm>> -> memref<1x80x128xi32, #tpu.memory_space<hbm>>
      %dma_start3A_11 = tpu.memref_squeeze %dma_start3A_10 : memref<1x80x128xi32, #tpu.memory_space<hbm>> -> memref<80x128xi32, #tpu.memory_space<hbm>>
      %dma_start3A_12 = arith.constant 0 : i32
      %dma_start3A_13 = arith.constant 0 : i32
      %dma_start3A_14 = tpu.memref_slice %arg4[%add3A, %dma_start3A_12, %dma_start3A_13] : memref<32x80x128xi32, #tpu.memory_space<hbm>> -> memref<1x80x128xi32, #tpu.memory_space<hbm>>
      %dma_start3A_15 = tpu.memref_squeeze %dma_start3A_14 : memref<1x80x128xi32, #tpu.memory_space<hbm>> -> memref<80x128xi32, #tpu.memory_space<hbm>>
      tpu.enqueue_dma source(%dma_start3A_15 : memref<80x128xi32, #tpu.memory_space<hbm>>) target(%arg8 : memref<80x128xi32, #tpu.memory_space<vmem>>) target_semaphore(%run_scoped3A : memref<!tpu.dma_semaphore, #tpu.memory_space<semaphore_mem>>)
      %dma_wait3A = arith.constant 0 : i32
      %dma_wait3A_16 = arith.constant 0 : i32
      %dma_wait3A_17 = tpu.memref_slice %arg4[%add3A, %dma_wait3A, %dma_wait3A_16] : memref<32x80x128xi32, #tpu.memory_space<hbm>> -> memref<1x80x128xi32, #tpu.memory_space<hbm>>
      %dma_wait3A_18 = tpu.memref_squeeze %dma_wait3A_17 : memref<1x80x128xi32, #tpu.memory_space<hbm>> -> memref<80x128xi32, #tpu.memory_space<hbm>>
      %dma_wait3A_19 = arith.constant 0 : i32
      %dma_wait3A_20 = arith.constant 0 : i32
      %dma_wait3A_21 = tpu.memref_slice %arg4[%add3A, %dma_wait3A_19, %dma_wait3A_20] : memref<32x80x128xi32, #tpu.memory_space<hbm>> -> memref<1x80x128xi32, #tpu.memory_space<hbm>>
      %dma_wait3A_22 = tpu.memref_squeeze %dma_wait3A_21 : memref<1x80x128xi32, #tpu.memory_space<hbm>> -> memref<80x128xi32, #tpu.memory_space<hbm>>
      tpu.wait_dma2 semaphore(%run_scoped3A : memref<!tpu.dma_semaphore, #tpu.memory_space<semaphore_mem>>) src(%dma_wait3A_22 : memref<80x128xi32, #tpu.memory_space<hbm>>) dst(%arg8 : memref<80x128xi32, #tpu.memory_space<vmem>>)
      tpu.yield
    }) : () -> ()
    %barrier3A = arith.constant 0 : index
    tpu.barrier barrier_id(%barrier3A)
    %scan3A = arith.constant 0 : i32
    %scan3A_3 = arith.constant 0 : i32
    %scan3A_4 = arith.constant 80 : i32
    %scan3A_5 = arith.addi %scan3A_3, %scan3A_4 : i32
    %scan3A_6 = arith.constant 1 : i32
    scf.for %scan3A_9 = %scan3A_3 to %scan3A_5 step %scan3A_6  : i32 {
      %dma_start3A = arith.constant 0 : i32
      %dma_start3A_10 = tpu.memref_slice %arg7[%scan3A_9, %dma_start3A] : memref<80x128xi32, #tpu.memory_space<vmem>> -> memref<1x128xi32, #tpu.memory_space<vmem>>
      %dma_start3A_11 = tpu.memref_squeeze %dma_start3A_10 : memref<1x128xi32, #tpu.memory_space<vmem>> -> memref<128xi32, #tpu.memory_space<vmem>>
      %dma_start3A_12 = arith.constant 0 : i32
      %dma_start3A_13 = arith.constant 0 : i32
      %dma_start3A_14 = tpu.memref_slice %arg2[%dma_start3A_12, %dma_start3A_13] : memref<10000x128xf32, #tpu.memory_space<hbm>> -> memref<10000x128xf32, #tpu.memory_space<hbm>>
      tpu.enqueue_indirect_dma source(%dma_start3A_14 : memref<10000x128xf32, #tpu.memory_space<hbm>>) target(%arg9 : memref<128x128xf32, #tpu.memory_space<vmem>>) offsets(%dma_start3A_11 : memref<128xi32, #tpu.memory_space<vmem>>) semaphore(%arg11 : memref<!tpu.dma_semaphore, #tpu.memory_space<semaphore_mem>>)
      %dma_wait3A = arith.constant 0 : i32
      %dma_wait3A_15 = tpu.memref_slice %arg7[%scan3A_9, %dma_wait3A] : memref<80x128xi32, #tpu.memory_space<vmem>> -> memref<1x128xi32, #tpu.memory_space<vmem>>
      %dma_wait3A_16 = tpu.memref_squeeze %dma_wait3A_15 : memref<1x128xi32, #tpu.memory_space<vmem>> -> memref<128xi32, #tpu.memory_space<vmem>>
      %dma_wait3A_17 = arith.constant 0 : i32
      %dma_wait3A_18 = arith.constant 0 : i32
      %dma_wait3A_19 = tpu.memref_slice %arg2[%dma_wait3A_17, %dma_wait3A_18] : memref<10000x128xf32, #tpu.memory_space<hbm>> -> memref<10000x128xf32, #tpu.memory_space<hbm>>
      tpu.wait_indirect_dma semaphore(%arg11 : memref<!tpu.dma_semaphore, #tpu.memory_space<semaphore_mem>>) src(%dma_wait3A_19 : memref<10000x128xf32, #tpu.memory_space<hbm>>) dst(%arg9 : memref<128x128xf32, #tpu.memory_space<vmem>>)
      "tpu.region"() ({
        %run_scoped3A = tpu.sem_alloc : memref<!tpu.dma_semaphore, #tpu.memory_space<semaphore_mem>>
        %dma_start3A_20 = arith.constant 0 : i32
        %dma_start3A_21 = tpu.memref_slice %arg8[%scan3A_9, %dma_start3A_20] : memref<80x128xi32, #tpu.memory_space<vmem>> -> memref<1x128xi32, #tpu.memory_space<vmem>>
        %dma_start3A_22 = tpu.memref_squeeze %dma_start3A_21 : memref<1x128xi32, #tpu.memory_space<vmem>> -> memref<128xi32, #tpu.memory_space<vmem>>
        %dma_start3A_23 = arith.constant 0 : i32
        %dma_start3A_24 = arith.constant 0 : i32
        %dma_start3A_25 = tpu.memref_slice %arg10[%dma_start3A_23, %dma_start3A_24] : memref<10240x128xf32, #tpu.memory_space<vmem_shared>> -> memref<10240x128xf32, #tpu.memory_space<vmem_shared>>
        tpu.enqueue_indirect_dma source(%arg9 : memref<128x128xf32, #tpu.memory_space<vmem>>) target(%dma_start3A_25 : memref<10240x128xf32, #tpu.memory_space<vmem_shared>>) offsets(%dma_start3A_22 : memref<128xi32, #tpu.memory_space<vmem>>) semaphore(%run_scoped3A : memref<!tpu.dma_semaphore, #tpu.memory_space<semaphore_mem>>) {add = true}
        %dma_wait3A_26 = arith.constant 0 : i32
        %dma_wait3A_27 = tpu.memref_slice %arg8[%scan3A_9, %dma_wait3A_26] : memref<80x128xi32, #tpu.memory_space<vmem>> -> memref<1x128xi32, #tpu.memory_space<vmem>>
        %dma_wait3A_28 = tpu.memref_squeeze %dma_wait3A_27 : memref<1x128xi32, #tpu.memory_space<vmem>> -> memref<128xi32, #tpu.memory_space<vmem>>
        %dma_wait3A_29 = arith.constant 0 : i32
        %dma_wait3A_30 = arith.constant 0 : i32
        %dma_wait3A_31 = tpu.memref_slice %arg10[%dma_wait3A_29, %dma_wait3A_30] : memref<10240x128xf32, #tpu.memory_space<vmem_shared>> -> memref<10240x128xf32, #tpu.memory_space<vmem_shared>>
        tpu.wait_indirect_dma semaphore(%run_scoped3A : memref<!tpu.dma_semaphore, #tpu.memory_space<semaphore_mem>>) src(%arg9 : memref<128x128xf32, #tpu.memory_space<vmem>>) dst(%dma_wait3A_31 : memref<10240x128xf32, #tpu.memory_space<vmem_shared>>)
        tpu.yield
      }) : () -> ()
    }
    %scan3A_7 = arith.constant 80 : i32
    %barrier3A_8 = arith.constant 0 : index
    tpu.barrier barrier_id(%barrier3A_8)
    "tpu.region"() ({
      %run_scoped3A = tpu.sem_alloc : memref<!tpu.dma_semaphore, #tpu.memory_space<semaphore_mem>>
      %dma_start3A = arith.constant 0 : i32
      %dma_start3A_9 = tpu.memref_slice %arg6[%arg0, %mul3A_2, %dma_start3A] : memref<2x10240x128xf32, #tpu.memory_space<hbm>> -> memref<1x640x128xf32, #tpu.memory_space<hbm>>
      %dma_start3A_10 = tpu.memref_squeeze %dma_start3A_9 : memref<1x640x128xf32, #tpu.memory_space<hbm>> -> memref<640x128xf32, #tpu.memory_space<hbm>>
      %dma_start3A_11 = arith.constant 0 : i32
      %dma_start3A_12 = tpu.memref_slice %arg10[%mul3A_2, %dma_start3A_11] : memref<10240x128xf32, #tpu.memory_space<vmem_shared>> -> memref<640x128xf32, #tpu.memory_space<vmem_shared>>
      tpu.enqueue_dma source(%dma_start3A_12 : memref<640x128xf32, #tpu.memory_space<vmem_shared>>) target(%dma_start3A_10 : memref<640x128xf32, #tpu.memory_space<hbm>>) target_semaphore(%run_scoped3A : memref<!tpu.dma_semaphore, #tpu.memory_space<semaphore_mem>>)
      %dma_wait3A = arith.constant 0 : i32
      %dma_wait3A_13 = tpu.memref_slice %arg6[%arg0, %mul3A_2, %dma_wait3A] : memref<2x10240x128xf32, #tpu.memory_space<hbm>> -> memref<1x640x128xf32, #tpu.memory_space<hbm>>
      %dma_wait3A_14 = tpu.memref_squeeze %dma_wait3A_13 : memref<1x640x128xf32, #tpu.memory_space<hbm>> -> memref<640x128xf32, #tpu.memory_space<hbm>>
      %dma_wait3A_15 = arith.constant 0 : i32
      %dma_wait3A_16 = tpu.memref_slice %arg10[%mul3A_2, %dma_wait3A_15] : memref<10240x128xf32, #tpu.memory_space<vmem_shared>> -> memref<640x128xf32, #tpu.memory_space<vmem_shared>>
      tpu.wait_dma2 semaphore(%run_scoped3A : memref<!tpu.dma_semaphore, #tpu.memory_space<semaphore_mem>>) src(%dma_wait3A_16 : memref<640x128xf32, #tpu.memory_space<vmem_shared>>) dst(%dma_wait3A_14 : memref<640x128xf32, #tpu.memory_space<hbm>>)
      tpu.yield
    }) : () -> ()
    return
  }
}

#map = affine_map<(d0, d1) -> (0, 0)>
#map1 = affine_map<(d0, d1) -> (0, 0, 0)>
#map2 = affine_map<(d0, d1) -> (0)>
module attributes {stable_mosaic.version = 14 : i64} {
  func.func @_seg_sum_body(%arg0: i32, %arg1: i32, %arg2: memref<10000x128xf32, #tpu.memory_space<hbm>>, %arg3: memref<32x80x128xi32, #tpu.memory_space<hbm>>, %arg4: memref<32x80x128xi32, #tpu.memory_space<hbm>>, %arg5: memref<10240x128xf32, #tpu.memory_space<hbm>>, %arg6: memref<10240xf32, #tpu.memory_space<hbm>>, %arg7: memref<128xf32, #tpu.memory_space<hbm>>, %arg8: memref<2x10240x128xf32, #tpu.memory_space<hbm>>, %arg9: memref<2x10240xf32, #tpu.memory_space<hbm>>, %arg10: memref<80x128xi32, #tpu.memory_space<vmem>>, %arg11: memref<80x128xi32, #tpu.memory_space<vmem>>, %arg12: memref<128x128xf32, #tpu.memory_space<vmem>>, %arg13: memref<128xf32, #tpu.memory_space<vmem>>, %arg14: memref<10240x128xf32, #tpu.memory_space<vmem_shared>>, %arg15: memref<10240xf32, #tpu.memory_space<vmem_shared>>, %arg16: memref<!tpu.dma_semaphore, #tpu.memory_space<semaphore_mem>>) attributes {dimension_semantics = [#tpu.dimension_semantics<core_parallel>, #tpu.dimension_semantics<subcore_parallel>], iteration_bounds = array<i64: 2, 16>, scalar_prefetch = 0 : i64, scratch_operands = 7 : i64, tpu.core_type = #tpu.core_type<sc_vector_subcore>, window_params = [{transform_indices = #map}, {transform_indices = #map1}, {transform_indices = #map1}, {transform_indices = #map}, {transform_indices = #map2}, {transform_indices = #map2}, {transform_indices = #map1}, {transform_indices = #map}]} {
    %mul3A = arith.constant 16 : i32
    %mul3A_0 = arith.muli %arg0, %mul3A : i32
    %add3A = arith.addi %mul3A_0, %arg1 : i32
    %mul3A_1 = arith.constant 640 : i32
    %mul3A_2 = arith.muli %arg1, %mul3A_1 : i32
    "tpu.region"() ({
      %run_scoped3A = tpu.sem_alloc : memref<!tpu.dma_semaphore, #tpu.memory_space<semaphore_mem>>
      %dma_start3A = arith.constant 0 : i32
      %dma_start3A_9 = tpu.memref_slice %arg14[%mul3A_2, %dma_start3A] : memref<10240x128xf32, #tpu.memory_space<vmem_shared>> -> memref<640x128xf32, #tpu.memory_space<vmem_shared>>
      %dma_start3A_10 = arith.constant 0 : i32
      %dma_start3A_11 = tpu.memref_slice %arg5[%mul3A_2, %dma_start3A_10] : memref<10240x128xf32, #tpu.memory_space<hbm>> -> memref<640x128xf32, #tpu.memory_space<hbm>>
      tpu.enqueue_dma source(%dma_start3A_11 : memref<640x128xf32, #tpu.memory_space<hbm>>) target(%dma_start3A_9 : memref<640x128xf32, #tpu.memory_space<vmem_shared>>) target_semaphore(%run_scoped3A : memref<!tpu.dma_semaphore, #tpu.memory_space<semaphore_mem>>)
      %dma_wait3A = arith.constant 0 : i32
      %dma_wait3A_12 = tpu.memref_slice %arg14[%mul3A_2, %dma_wait3A] : memref<10240x128xf32, #tpu.memory_space<vmem_shared>> -> memref<640x128xf32, #tpu.memory_space<vmem_shared>>
      %dma_wait3A_13 = arith.constant 0 : i32
      %dma_wait3A_14 = tpu.memref_slice %arg5[%mul3A_2, %dma_wait3A_13] : memref<10240x128xf32, #tpu.memory_space<hbm>> -> memref<640x128xf32, #tpu.memory_space<hbm>>
      tpu.wait_dma2 semaphore(%run_scoped3A : memref<!tpu.dma_semaphore, #tpu.memory_space<semaphore_mem>>) src(%dma_wait3A_14 : memref<640x128xf32, #tpu.memory_space<hbm>>) dst(%dma_wait3A_12 : memref<640x128xf32, #tpu.memory_space<vmem_shared>>)
      tpu.yield
    }) : () -> ()
    "tpu.region"() ({
      %run_scoped3A = tpu.sem_alloc : memref<!tpu.dma_semaphore, #tpu.memory_space<semaphore_mem>>
      %dma_start3A = tpu.memref_slice %arg15[%mul3A_2] : memref<10240xf32, #tpu.memory_space<vmem_shared>> -> memref<640xf32, #tpu.memory_space<vmem_shared>>
      %dma_start3A_9 = tpu.memref_slice %arg6[%mul3A_2] : memref<10240xf32, #tpu.memory_space<hbm>> -> memref<640xf32, #tpu.memory_space<hbm>>
      tpu.enqueue_dma source(%dma_start3A_9 : memref<640xf32, #tpu.memory_space<hbm>>) target(%dma_start3A : memref<640xf32, #tpu.memory_space<vmem_shared>>) target_semaphore(%run_scoped3A : memref<!tpu.dma_semaphore, #tpu.memory_space<semaphore_mem>>)
      %dma_wait3A = tpu.memref_slice %arg15[%mul3A_2] : memref<10240xf32, #tpu.memory_space<vmem_shared>> -> memref<640xf32, #tpu.memory_space<vmem_shared>>
      %dma_wait3A_10 = tpu.memref_slice %arg6[%mul3A_2] : memref<10240xf32, #tpu.memory_space<hbm>> -> memref<640xf32, #tpu.memory_space<hbm>>
      tpu.wait_dma2 semaphore(%run_scoped3A : memref<!tpu.dma_semaphore, #tpu.memory_space<semaphore_mem>>) src(%dma_wait3A_10 : memref<640xf32, #tpu.memory_space<hbm>>) dst(%dma_wait3A : memref<640xf32, #tpu.memory_space<vmem_shared>>)
      tpu.yield
    }) : () -> ()
    "tpu.region"() ({
      %run_scoped3A = tpu.sem_alloc : memref<!tpu.dma_semaphore, #tpu.memory_space<semaphore_mem>>
      tpu.enqueue_dma source(%arg7 : memref<128xf32, #tpu.memory_space<hbm>>) target(%arg13 : memref<128xf32, #tpu.memory_space<vmem>>) target_semaphore(%run_scoped3A : memref<!tpu.dma_semaphore, #tpu.memory_space<semaphore_mem>>)
      tpu.wait_dma2 semaphore(%run_scoped3A : memref<!tpu.dma_semaphore, #tpu.memory_space<semaphore_mem>>) src(%arg7 : memref<128xf32, #tpu.memory_space<hbm>>) dst(%arg13 : memref<128xf32, #tpu.memory_space<vmem>>)
      tpu.yield
    }) : () -> ()
    "tpu.region"() ({
      %run_scoped3A = tpu.sem_alloc : memref<!tpu.dma_semaphore, #tpu.memory_space<semaphore_mem>>
      %dma_start3A = arith.constant 0 : i32
      %dma_start3A_9 = arith.constant 0 : i32
      %dma_start3A_10 = tpu.memref_slice %arg3[%add3A, %dma_start3A, %dma_start3A_9] : memref<32x80x128xi32, #tpu.memory_space<hbm>> -> memref<1x80x128xi32, #tpu.memory_space<hbm>>
      %dma_start3A_11 = tpu.memref_squeeze %dma_start3A_10 : memref<1x80x128xi32, #tpu.memory_space<hbm>> -> memref<80x128xi32, #tpu.memory_space<hbm>>
      %dma_start3A_12 = arith.constant 0 : i32
      %dma_start3A_13 = arith.constant 0 : i32
      %dma_start3A_14 = tpu.memref_slice %arg3[%add3A, %dma_start3A_12, %dma_start3A_13] : memref<32x80x128xi32, #tpu.memory_space<hbm>> -> memref<1x80x128xi32, #tpu.memory_space<hbm>>
      %dma_start3A_15 = tpu.memref_squeeze %dma_start3A_14 : memref<1x80x128xi32, #tpu.memory_space<hbm>> -> memref<80x128xi32, #tpu.memory_space<hbm>>
      tpu.enqueue_dma source(%dma_start3A_15 : memref<80x128xi32, #tpu.memory_space<hbm>>) target(%arg10 : memref<80x128xi32, #tpu.memory_space<vmem>>) target_semaphore(%run_scoped3A : memref<!tpu.dma_semaphore, #tpu.memory_space<semaphore_mem>>)
      %dma_wait3A = arith.constant 0 : i32
      %dma_wait3A_16 = arith.constant 0 : i32
      %dma_wait3A_17 = tpu.memref_slice %arg3[%add3A, %dma_wait3A, %dma_wait3A_16] : memref<32x80x128xi32, #tpu.memory_space<hbm>> -> memref<1x80x128xi32, #tpu.memory_space<hbm>>
      %dma_wait3A_18 = tpu.memref_squeeze %dma_wait3A_17 : memref<1x80x128xi32, #tpu.memory_space<hbm>> -> memref<80x128xi32, #tpu.memory_space<hbm>>
      %dma_wait3A_19 = arith.constant 0 : i32
      %dma_wait3A_20 = arith.constant 0 : i32
      %dma_wait3A_21 = tpu.memref_slice %arg3[%add3A, %dma_wait3A_19, %dma_wait3A_20] : memref<32x80x128xi32, #tpu.memory_space<hbm>> -> memref<1x80x128xi32, #tpu.memory_space<hbm>>
      %dma_wait3A_22 = tpu.memref_squeeze %dma_wait3A_21 : memref<1x80x128xi32, #tpu.memory_space<hbm>> -> memref<80x128xi32, #tpu.memory_space<hbm>>
      tpu.wait_dma2 semaphore(%run_scoped3A : memref<!tpu.dma_semaphore, #tpu.memory_space<semaphore_mem>>) src(%dma_wait3A_22 : memref<80x128xi32, #tpu.memory_space<hbm>>) dst(%arg10 : memref<80x128xi32, #tpu.memory_space<vmem>>)
      tpu.yield
    }) : () -> ()
    "tpu.region"() ({
      %run_scoped3A = tpu.sem_alloc : memref<!tpu.dma_semaphore, #tpu.memory_space<semaphore_mem>>
      %dma_start3A = arith.constant 0 : i32
      %dma_start3A_9 = arith.constant 0 : i32
      %dma_start3A_10 = tpu.memref_slice %arg4[%add3A, %dma_start3A, %dma_start3A_9] : memref<32x80x128xi32, #tpu.memory_space<hbm>> -> memref<1x80x128xi32, #tpu.memory_space<hbm>>
      %dma_start3A_11 = tpu.memref_squeeze %dma_start3A_10 : memref<1x80x128xi32, #tpu.memory_space<hbm>> -> memref<80x128xi32, #tpu.memory_space<hbm>>
      %dma_start3A_12 = arith.constant 0 : i32
      %dma_start3A_13 = arith.constant 0 : i32
      %dma_start3A_14 = tpu.memref_slice %arg4[%add3A, %dma_start3A_12, %dma_start3A_13] : memref<32x80x128xi32, #tpu.memory_space<hbm>> -> memref<1x80x128xi32, #tpu.memory_space<hbm>>
      %dma_start3A_15 = tpu.memref_squeeze %dma_start3A_14 : memref<1x80x128xi32, #tpu.memory_space<hbm>> -> memref<80x128xi32, #tpu.memory_space<hbm>>
      tpu.enqueue_dma source(%dma_start3A_15 : memref<80x128xi32, #tpu.memory_space<hbm>>) target(%arg11 : memref<80x128xi32, #tpu.memory_space<vmem>>) target_semaphore(%run_scoped3A : memref<!tpu.dma_semaphore, #tpu.memory_space<semaphore_mem>>)
      %dma_wait3A = arith.constant 0 : i32
      %dma_wait3A_16 = arith.constant 0 : i32
      %dma_wait3A_17 = tpu.memref_slice %arg4[%add3A, %dma_wait3A, %dma_wait3A_16] : memref<32x80x128xi32, #tpu.memory_space<hbm>> -> memref<1x80x128xi32, #tpu.memory_space<hbm>>
      %dma_wait3A_18 = tpu.memref_squeeze %dma_wait3A_17 : memref<1x80x128xi32, #tpu.memory_space<hbm>> -> memref<80x128xi32, #tpu.memory_space<hbm>>
      %dma_wait3A_19 = arith.constant 0 : i32
      %dma_wait3A_20 = arith.constant 0 : i32
      %dma_wait3A_21 = tpu.memref_slice %arg4[%add3A, %dma_wait3A_19, %dma_wait3A_20] : memref<32x80x128xi32, #tpu.memory_space<hbm>> -> memref<1x80x128xi32, #tpu.memory_space<hbm>>
      %dma_wait3A_22 = tpu.memref_squeeze %dma_wait3A_21 : memref<1x80x128xi32, #tpu.memory_space<hbm>> -> memref<80x128xi32, #tpu.memory_space<hbm>>
      tpu.wait_dma2 semaphore(%run_scoped3A : memref<!tpu.dma_semaphore, #tpu.memory_space<semaphore_mem>>) src(%dma_wait3A_22 : memref<80x128xi32, #tpu.memory_space<hbm>>) dst(%arg11 : memref<80x128xi32, #tpu.memory_space<vmem>>)
      tpu.yield
    }) : () -> ()
    %barrier3A = arith.constant 0 : index
    tpu.barrier barrier_id(%barrier3A)
    %scan3A = arith.constant 0 : i32
    %scan3A_3 = arith.constant 0 : i32
    %scan3A_4 = arith.constant 80 : i32
    %scan3A_5 = arith.addi %scan3A_3, %scan3A_4 : i32
    %scan3A_6 = arith.constant 1 : i32
    scf.for %scan3A_9 = %scan3A_3 to %scan3A_5 step %scan3A_6  : i32 {
      %dma_start3A = arith.constant 0 : i32
      %dma_start3A_10 = tpu.memref_slice %arg10[%scan3A_9, %dma_start3A] : memref<80x128xi32, #tpu.memory_space<vmem>> -> memref<1x128xi32, #tpu.memory_space<vmem>>
      %dma_start3A_11 = tpu.memref_squeeze %dma_start3A_10 : memref<1x128xi32, #tpu.memory_space<vmem>> -> memref<128xi32, #tpu.memory_space<vmem>>
      %dma_start3A_12 = arith.constant 0 : i32
      %dma_start3A_13 = arith.constant 0 : i32
      %dma_start3A_14 = tpu.memref_slice %arg2[%dma_start3A_12, %dma_start3A_13] : memref<10000x128xf32, #tpu.memory_space<hbm>> -> memref<10000x128xf32, #tpu.memory_space<hbm>>
      tpu.enqueue_indirect_dma source(%dma_start3A_14 : memref<10000x128xf32, #tpu.memory_space<hbm>>) target(%arg12 : memref<128x128xf32, #tpu.memory_space<vmem>>) offsets(%dma_start3A_11 : memref<128xi32, #tpu.memory_space<vmem>>) semaphore(%arg16 : memref<!tpu.dma_semaphore, #tpu.memory_space<semaphore_mem>>)
      %dma_wait3A = arith.constant 0 : i32
      %dma_wait3A_15 = tpu.memref_slice %arg10[%scan3A_9, %dma_wait3A] : memref<80x128xi32, #tpu.memory_space<vmem>> -> memref<1x128xi32, #tpu.memory_space<vmem>>
      %dma_wait3A_16 = tpu.memref_squeeze %dma_wait3A_15 : memref<1x128xi32, #tpu.memory_space<vmem>> -> memref<128xi32, #tpu.memory_space<vmem>>
      %dma_wait3A_17 = arith.constant 0 : i32
      %dma_wait3A_18 = arith.constant 0 : i32
      %dma_wait3A_19 = tpu.memref_slice %arg2[%dma_wait3A_17, %dma_wait3A_18] : memref<10000x128xf32, #tpu.memory_space<hbm>> -> memref<10000x128xf32, #tpu.memory_space<hbm>>
      tpu.wait_indirect_dma semaphore(%arg16 : memref<!tpu.dma_semaphore, #tpu.memory_space<semaphore_mem>>) src(%dma_wait3A_19 : memref<10000x128xf32, #tpu.memory_space<hbm>>) dst(%arg12 : memref<128x128xf32, #tpu.memory_space<vmem>>)
      "tpu.region"() ({
        %run_scoped3A = tpu.sem_alloc : memref<!tpu.dma_semaphore, #tpu.memory_space<semaphore_mem>>
        %dma_start3A_20 = arith.constant 0 : i32
        %dma_start3A_21 = tpu.memref_slice %arg11[%scan3A_9, %dma_start3A_20] : memref<80x128xi32, #tpu.memory_space<vmem>> -> memref<1x128xi32, #tpu.memory_space<vmem>>
        %dma_start3A_22 = tpu.memref_squeeze %dma_start3A_21 : memref<1x128xi32, #tpu.memory_space<vmem>> -> memref<128xi32, #tpu.memory_space<vmem>>
        %dma_start3A_23 = arith.constant 0 : i32
        %dma_start3A_24 = arith.constant 0 : i32
        %dma_start3A_25 = tpu.memref_slice %arg14[%dma_start3A_23, %dma_start3A_24] : memref<10240x128xf32, #tpu.memory_space<vmem_shared>> -> memref<10240x128xf32, #tpu.memory_space<vmem_shared>>
        tpu.enqueue_indirect_dma source(%arg12 : memref<128x128xf32, #tpu.memory_space<vmem>>) target(%dma_start3A_25 : memref<10240x128xf32, #tpu.memory_space<vmem_shared>>) offsets(%dma_start3A_22 : memref<128xi32, #tpu.memory_space<vmem>>) semaphore(%run_scoped3A : memref<!tpu.dma_semaphore, #tpu.memory_space<semaphore_mem>>) {add = true}
        %dma_wait3A_26 = arith.constant 0 : i32
        %dma_wait3A_27 = tpu.memref_slice %arg11[%scan3A_9, %dma_wait3A_26] : memref<80x128xi32, #tpu.memory_space<vmem>> -> memref<1x128xi32, #tpu.memory_space<vmem>>
        %dma_wait3A_28 = tpu.memref_squeeze %dma_wait3A_27 : memref<1x128xi32, #tpu.memory_space<vmem>> -> memref<128xi32, #tpu.memory_space<vmem>>
        %dma_wait3A_29 = arith.constant 0 : i32
        %dma_wait3A_30 = arith.constant 0 : i32
        %dma_wait3A_31 = tpu.memref_slice %arg14[%dma_wait3A_29, %dma_wait3A_30] : memref<10240x128xf32, #tpu.memory_space<vmem_shared>> -> memref<10240x128xf32, #tpu.memory_space<vmem_shared>>
        tpu.wait_indirect_dma semaphore(%run_scoped3A : memref<!tpu.dma_semaphore, #tpu.memory_space<semaphore_mem>>) src(%arg12 : memref<128x128xf32, #tpu.memory_space<vmem>>) dst(%dma_wait3A_31 : memref<10240x128xf32, #tpu.memory_space<vmem_shared>>)
        tpu.yield
      }) : () -> ()
      "tpu.region"() ({
        %run_scoped3A = tpu.sem_alloc : memref<!tpu.dma_semaphore, #tpu.memory_space<semaphore_mem>>
        %dma_start3A_20 = arith.constant 0 : i32
        %dma_start3A_21 = tpu.memref_slice %arg11[%scan3A_9, %dma_start3A_20] : memref<80x128xi32, #tpu.memory_space<vmem>> -> memref<1x128xi32, #tpu.memory_space<vmem>>
        %dma_start3A_22 = tpu.memref_squeeze %dma_start3A_21 : memref<1x128xi32, #tpu.memory_space<vmem>> -> memref<128xi32, #tpu.memory_space<vmem>>
        %dma_start3A_23 = arith.constant 0 : i32
        %dma_start3A_24 = tpu.memref_slice %arg15[%dma_start3A_23] : memref<10240xf32, #tpu.memory_space<vmem_shared>> -> memref<10240xf32, #tpu.memory_space<vmem_shared>>
        tpu.enqueue_indirect_dma source(%arg13 : memref<128xf32, #tpu.memory_space<vmem>>) target(%dma_start3A_24 : memref<10240xf32, #tpu.memory_space<vmem_shared>>) offsets(%dma_start3A_22 : memref<128xi32, #tpu.memory_space<vmem>>) semaphore(%run_scoped3A : memref<!tpu.dma_semaphore, #tpu.memory_space<semaphore_mem>>) {add = true}
        %dma_wait3A_25 = arith.constant 0 : i32
        %dma_wait3A_26 = tpu.memref_slice %arg11[%scan3A_9, %dma_wait3A_25] : memref<80x128xi32, #tpu.memory_space<vmem>> -> memref<1x128xi32, #tpu.memory_space<vmem>>
        %dma_wait3A_27 = tpu.memref_squeeze %dma_wait3A_26 : memref<1x128xi32, #tpu.memory_space<vmem>> -> memref<128xi32, #tpu.memory_space<vmem>>
        %dma_wait3A_28 = arith.constant 0 : i32
        %dma_wait3A_29 = tpu.memref_slice %arg15[%dma_wait3A_28] : memref<10240xf32, #tpu.memory_space<vmem_shared>> -> memref<10240xf32, #tpu.memory_space<vmem_shared>>
        tpu.wait_indirect_dma semaphore(%run_scoped3A : memref<!tpu.dma_semaphore, #tpu.memory_space<semaphore_mem>>) src(%arg13 : memref<128xf32, #tpu.memory_space<vmem>>) dst(%dma_wait3A_29 : memref<10240xf32, #tpu.memory_space<vmem_shared>>)
        tpu.yield
      }) : () -> ()
    }
    %scan3A_7 = arith.constant 80 : i32
    %barrier3A_8 = arith.constant 0 : index
    tpu.barrier barrier_id(%barrier3A_8)
    "tpu.region"() ({
      %run_scoped3A = tpu.sem_alloc : memref<!tpu.dma_semaphore, #tpu.memory_space<semaphore_mem>>
      %dma_start3A = arith.constant 0 : i32
      %dma_start3A_9 = tpu.memref_slice %arg8[%arg0, %mul3A_2, %dma_start3A] : memref<2x10240x128xf32, #tpu.memory_space<hbm>> -> memref<1x640x128xf32, #tpu.memory_space<hbm>>
      %dma_start3A_10 = tpu.memref_squeeze %dma_start3A_9 : memref<1x640x128xf32, #tpu.memory_space<hbm>> -> memref<640x128xf32, #tpu.memory_space<hbm>>
      %dma_start3A_11 = arith.constant 0 : i32
      %dma_start3A_12 = tpu.memref_slice %arg14[%mul3A_2, %dma_start3A_11] : memref<10240x128xf32, #tpu.memory_space<vmem_shared>> -> memref<640x128xf32, #tpu.memory_space<vmem_shared>>
      tpu.enqueue_dma source(%dma_start3A_12 : memref<640x128xf32, #tpu.memory_space<vmem_shared>>) target(%dma_start3A_10 : memref<640x128xf32, #tpu.memory_space<hbm>>) target_semaphore(%run_scoped3A : memref<!tpu.dma_semaphore, #tpu.memory_space<semaphore_mem>>)
      %dma_wait3A = arith.constant 0 : i32
      %dma_wait3A_13 = tpu.memref_slice %arg8[%arg0, %mul3A_2, %dma_wait3A] : memref<2x10240x128xf32, #tpu.memory_space<hbm>> -> memref<1x640x128xf32, #tpu.memory_space<hbm>>
      %dma_wait3A_14 = tpu.memref_squeeze %dma_wait3A_13 : memref<1x640x128xf32, #tpu.memory_space<hbm>> -> memref<640x128xf32, #tpu.memory_space<hbm>>
      %dma_wait3A_15 = arith.constant 0 : i32
      %dma_wait3A_16 = tpu.memref_slice %arg14[%mul3A_2, %dma_wait3A_15] : memref<10240x128xf32, #tpu.memory_space<vmem_shared>> -> memref<640x128xf32, #tpu.memory_space<vmem_shared>>
      tpu.wait_dma2 semaphore(%run_scoped3A : memref<!tpu.dma_semaphore, #tpu.memory_space<semaphore_mem>>) src(%dma_wait3A_16 : memref<640x128xf32, #tpu.memory_space<vmem_shared>>) dst(%dma_wait3A_14 : memref<640x128xf32, #tpu.memory_space<hbm>>)
      tpu.yield
    }) : () -> ()
    "tpu.region"() ({
      %run_scoped3A = tpu.sem_alloc : memref<!tpu.dma_semaphore, #tpu.memory_space<semaphore_mem>>
      %dma_start3A = tpu.memref_slice %arg9[%arg0, %mul3A_2] : memref<2x10240xf32, #tpu.memory_space<hbm>> -> memref<1x640xf32, #tpu.memory_space<hbm>>
      %dma_start3A_9 = tpu.memref_squeeze %dma_start3A : memref<1x640xf32, #tpu.memory_space<hbm>> -> memref<640xf32, #tpu.memory_space<hbm>>
      %dma_start3A_10 = tpu.memref_slice %arg15[%mul3A_2] : memref<10240xf32, #tpu.memory_space<vmem_shared>> -> memref<640xf32, #tpu.memory_space<vmem_shared>>
      tpu.enqueue_dma source(%dma_start3A_10 : memref<640xf32, #tpu.memory_space<vmem_shared>>) target(%dma_start3A_9 : memref<640xf32, #tpu.memory_space<hbm>>) target_semaphore(%run_scoped3A : memref<!tpu.dma_semaphore, #tpu.memory_space<semaphore_mem>>)
      %dma_wait3A = tpu.memref_slice %arg9[%arg0, %mul3A_2] : memref<2x10240xf32, #tpu.memory_space<hbm>> -> memref<1x640xf32, #tpu.memory_space<hbm>>
      %dma_wait3A_11 = tpu.memref_squeeze %dma_wait3A : memref<1x640xf32, #tpu.memory_space<hbm>> -> memref<640xf32, #tpu.memory_space<hbm>>
      %dma_wait3A_12 = tpu.memref_slice %arg15[%mul3A_2] : memref<10240xf32, #tpu.memory_space<vmem_shared>> -> memref<640xf32, #tpu.memory_space<vmem_shared>>
      tpu.wait_dma2 semaphore(%run_scoped3A : memref<!tpu.dma_semaphore, #tpu.memory_space<semaphore_mem>>) src(%dma_wait3A_12 : memref<640xf32, #tpu.memory_space<vmem_shared>>) dst(%dma_wait3A_11 : memref<640xf32, #tpu.memory_space<hbm>>)
      tpu.yield
    }) : () -> ()
    return
  }
}

module attributes {stable_mosaic.version = 14 : i64} {
  func.func @_mm2_body(%arg0: i32, %arg1: memref<2000x128xf32, #tpu.memory_space<vmem>>, %arg2: memref<128x128xf32, #tpu.memory_space<vmem>>, %arg3: memref<128x128xf32, #tpu.memory_space<vmem>>, %arg4: memref<2000x128xf32, #tpu.memory_space<vmem>>, %arg5: memref<2000x128xf32, #tpu.memory_space<vmem>>) attributes {dimension_semantics = [#tpu.dimension_semantics<arbitrary>], iteration_bounds = array<i64: 5>, scalar_prefetch = 0 : i64, scratch_operands = 0 : i64, tpu.core_type = #tpu.core_type<tc>, window_params = [{transform_indices = @transform_0, window_bounds = array<i64: 2000, 128>}, {pipeline_mode = #tpu.pipeline_mode<synchronous>, transform_indices = @transform_1, window_bounds = array<i64: 128, 128>}, {pipeline_mode = #tpu.pipeline_mode<synchronous>, transform_indices = @transform_2, window_bounds = array<i64: 128, 128>}, {transform_indices = @transform_3, window_bounds = array<i64: 2000, 128>}, {transform_indices = @transform_4, window_bounds = array<i64: 2000, 128>}]} {
    %get3A = arith.constant 0 : index
    %get3A_0 = arith.constant 0 : index
    %get3A_1 = vector.load %arg1[%get3A, %get3A_0] : memref<2000x128xf32, #tpu.memory_space<vmem>>, vector<2000x128xf32>
    %get3A_2 = arith.constant 0 : index
    %get3A_3 = arith.constant 0 : index
    %get3A_4 = vector.load %arg2[%get3A_2, %get3A_3] : memref<128x128xf32, #tpu.memory_space<vmem>>, vector<128x128xf32>
    %dot_general3A = arith.constant dense<0.000000e+00> : vector<2000x128xf32>
    %dot_general3A_5 = tpu.matmul %get3A_1, %get3A_4, %dot_general3A {dimension_numbers = #tpu.dot_dimension_numbers<[1], [0], [0], [1], [0, 0, 1, 1], [], []>, transpose_lhs_hint = false} : vector<2000x128xf32>, vector<128x128xf32>, vector<2000x128xf32> -> vector<2000x128xf32>
    %swap3A = arith.constant 0 : index
    %swap3A_6 = arith.constant 0 : index
    %swap3A_7 = vector.load %arg4[%swap3A, %swap3A_6] : memref<2000x128xf32, #tpu.memory_space<vmem>>, vector<2000x128xf32>
    tpu.vector_store %arg4[%swap3A, %swap3A_6], %dot_general3A_5 {strides = array<i32>} : memref<2000x128xf32, #tpu.memory_space<vmem>>, vector<2000x128xf32>,
    %get3A_8 = arith.constant 0 : index
    %get3A_9 = arith.constant 0 : index
    %get3A_10 = vector.load %arg3[%get3A_8, %get3A_9] : memref<128x128xf32, #tpu.memory_space<vmem>>, vector<128x128xf32>
    %dot_general3A_11 = arith.constant dense<0.000000e+00> : vector<2000x128xf32>
    %dot_general3A_12 = tpu.matmul %get3A_1, %get3A_10, %dot_general3A_11 {dimension_numbers = #tpu.dot_dimension_numbers<[1], [0], [0], [1], [0, 0, 1, 1], [], []>, transpose_lhs_hint = false} : vector<2000x128xf32>, vector<128x128xf32>, vector<2000x128xf32> -> vector<2000x128xf32>
    %swap3A_13 = arith.constant 0 : index
    %swap3A_14 = arith.constant 0 : index
    %swap3A_15 = vector.load %arg5[%swap3A_13, %swap3A_14] : memref<2000x128xf32, #tpu.memory_space<vmem>>, vector<2000x128xf32>
    tpu.vector_store %arg5[%swap3A_13, %swap3A_14], %dot_general3A_12 {strides = array<i32>} : memref<2000x128xf32, #tpu.memory_space<vmem>>, vector<2000x128xf32>,
    return
  }
  func.func @transform_0(%arg0: i32) -> (i32, i32) {
    %c0_i32 = arith.constant 0 : i32
    %c0_i32_0 = arith.constant 0 : i32
    return %arg0, %c0_i32 : i32, i32
  }
  func.func @transform_1(%arg0: i32) -> (i32, i32) {
    %c0_i32 = arith.constant 0 : i32
    %c0_i32_0 = arith.constant 0 : i32
    %c0_i32_1 = arith.constant 0 : i32
    return %c0_i32, %c0_i32_0 : i32, i32
  }
  func.func @transform_2(%arg0: i32) -> (i32, i32) {
    %c0_i32 = arith.constant 0 : i32
    %c0_i32_0 = arith.constant 0 : i32
    %c0_i32_1 = arith.constant 0 : i32
    return %c0_i32, %c0_i32_0 : i32, i32
  }
  func.func @transform_3(%arg0: i32) -> (i32, i32) {
    %c0_i32 = arith.constant 0 : i32
    %c0_i32_0 = arith.constant 0 : i32
    return %arg0, %c0_i32 : i32, i32
  }
  func.func @transform_4(%arg0: i32) -> (i32, i32) {
    %c0_i32 = arith.constant 0 : i32
    %c0_i32_0 = arith.constant 0 : i32
    return %arg0, %c0_i32 : i32, i32
  }
}

module attributes {stable_mosaic.version = 14 : i64} {
  func.func @_fin_body(%arg0: i32, %arg1: memref<1x2000x128xf32, #tpu.memory_space<vmem>>, %arg2: memref<1x2000x128xf32, #tpu.memory_space<vmem>>, %arg3: memref<1x2000x1xf32, #tpu.memory_space<vmem>>, %arg4: memref<1x2000x1xf32, #tpu.memory_space<vmem>>, %arg5: memref<1x128xf32, #tpu.memory_space<vmem>>, %arg6: memref<2000x128xf32, #tpu.memory_space<vmem>>, %arg7: memref<128x1xf32, #tpu.memory_space<vmem>>, %arg8: memref<1x1xf32, #tpu.memory_space<vmem>>, %arg9: memref<2000x1xf32, #tpu.memory_space<vmem>>) attributes {dimension_semantics = [#tpu.dimension_semantics<arbitrary>], iteration_bounds = array<i64: 5>, scalar_prefetch = 0 : i64, scratch_operands = 0 : i64, tpu.core_type = #tpu.core_type<tc>, window_params = [{transform_indices = @transform_0, window_bounds = array<i64: 1, 2000, 128>}, {transform_indices = @transform_1, window_bounds = array<i64: 1, 2000, 128>}, {transform_indices = @transform_2, window_bounds = array<i64: 1, 2000, 1>}, {transform_indices = @transform_3, window_bounds = array<i64: 1, 2000, 1>}, {pipeline_mode = #tpu.pipeline_mode<synchronous>, transform_indices = @transform_4, window_bounds = array<i64: 1, 128>}, {transform_indices = @transform_5, window_bounds = array<i64: 2000, 128>}, {pipeline_mode = #tpu.pipeline_mode<synchronous>, transform_indices = @transform_6, window_bounds = array<i64: 128, 1>}, {pipeline_mode = #tpu.pipeline_mode<synchronous>, transform_indices = @transform_7, window_bounds = array<i64: 1, 1>}, {transform_indices = @transform_8, window_bounds = array<i64: 2000, 1>}]} {
    %get3A = arith.constant 0 : index
    %get3A_0 = arith.constant 0 : index
    %get3A_1 = arith.constant 0 : index
    %get3A_2 = vector.load %arg3[%get3A, %get3A_0, %get3A_1] : memref<1x2000x1xf32, #tpu.memory_space<vmem>>, vector<1x2000x1xf32>
    %get3A_3 = vector.shape_cast %get3A_2 : vector<1x2000x1xf32> to vector<2000x1xf32>
    %get3A_4 = arith.constant 0 : index
    %get3A_5 = arith.constant 0 : index
    %get3A_6 = arith.constant 0 : index
    %get3A_7 = vector.load %arg4[%get3A_4, %get3A_5, %get3A_6] : memref<1x2000x1xf32, #tpu.memory_space<vmem>>, vector<1x2000x1xf32>
    %get3A_8 = vector.shape_cast %get3A_7 : vector<1x2000x1xf32> to vector<2000x1xf32>
    %add3A = arith.addf %get3A_3, %get3A_8 : vector<2000x1xf32>
    %max3A = arith.constant 1.000000e+00 : f32
    %max3A_9 = vector.broadcast %max3A : f32 to vector<2000x1xf32>
    %max3A_10 = arith.maximumf %add3A, %max3A_9 : vector<2000x1xf32>
    %get3A_11 = arith.constant 0 : index
    %get3A_12 = arith.constant 0 : index
    %get3A_13 = arith.constant 0 : index
    %get3A_14 = vector.load %arg1[%get3A_11, %get3A_12, %get3A_13] : memref<1x2000x128xf32, #tpu.memory_space<vmem>>, vector<1x2000x128xf32>
    %get3A_15 = vector.shape_cast %get3A_14 : vector<1x2000x128xf32> to vector<2000x128xf32>
    %get3A_16 = arith.constant 0 : index
    %get3A_17 = arith.constant 0 : index
    %get3A_18 = arith.constant 0 : index
    %get3A_19 = vector.load %arg2[%get3A_16, %get3A_17, %get3A_18] : memref<1x2000x128xf32, #tpu.memory_space<vmem>>, vector<1x2000x128xf32>
    %get3A_20 = vector.shape_cast %get3A_19 : vector<1x2000x128xf32> to vector<2000x128xf32>
    %add3A_21 = arith.addf %get3A_15, %get3A_20 : vector<2000x128xf32>
    %div3A = vector.broadcast %max3A_10 : vector<2000x1xf32> to vector<2000x128xf32>
    %div3A_22 = arith.divf %add3A_21, %div3A : vector<2000x128xf32>
    %get3A_23 = arith.constant 0 : index
    %get3A_24 = arith.constant 0 : index
    %get3A_25 = vector.load %arg5[%get3A_23, %get3A_24] : memref<1x128xf32, #tpu.memory_space<vmem>>, vector<1x128xf32>
    %add3A_26 = vector.broadcast %get3A_25 : vector<1x128xf32> to vector<2000x128xf32>
    %add3A_27 = arith.addf %div3A_22, %add3A_26 : vector<2000x128xf32>
    %get3A_28 = arith.constant 0 : index
    %get3A_29 = arith.constant 0 : index
    %get3A_30 = vector.load %arg6[%get3A_28, %get3A_29] : memref<2000x128xf32, #tpu.memory_space<vmem>>, vector<2000x128xf32>
    %add3A_31 = arith.addf %add3A_27, %get3A_30 : vector<2000x128xf32>
    %max3A_32 = arith.constant 0.000000e+00 : f32
    %max3A_33 = vector.broadcast %max3A_32 : f32 to vector<2000x128xf32>
    %max3A_34 = arith.maximumf %add3A_31, %max3A_33 : vector<2000x128xf32>
    %get3A_35 = arith.constant 0 : index
    %get3A_36 = arith.constant 0 : index
    %get3A_37 = vector.load %arg7[%get3A_35, %get3A_36] : memref<128x1xf32, #tpu.memory_space<vmem>>, vector<128x1xf32>
    %dot_general3A = arith.constant dense<0.000000e+00> : vector<2000x1xf32>
    %dot_general3A_38 = tpu.matmul %max3A_34, %get3A_37, %dot_general3A {dimension_numbers = #tpu.dot_dimension_numbers<[1], [0], [0], [1], [0, 0, 1, 1], [], []>, transpose_lhs_hint = false} : vector<2000x128xf32>, vector<128x1xf32>, vector<2000x1xf32> -> vector<2000x1xf32>
    %get3A_39 = arith.constant 0 : index
    %get3A_40 = arith.constant 0 : index
    %get3A_41 = vector.load %arg8[%get3A_39, %get3A_40] : memref<1x1xf32, #tpu.memory_space<vmem>>, vector<1x1xf32>
    %add3A_42 = vector.broadcast %get3A_41 : vector<1x1xf32> to vector<2000x1xf32>
    %add3A_43 = arith.addf %dot_general3A_38, %add3A_42 : vector<2000x1xf32>
    %swap3A = arith.constant 0 : index
    %swap3A_44 = arith.constant 0 : index
    %swap3A_45 = vector.load %arg9[%swap3A, %swap3A_44] : memref<2000x1xf32, #tpu.memory_space<vmem>>, vector<2000x1xf32>
    tpu.vector_store %arg9[%swap3A, %swap3A_44], %add3A_43 {strides = array<i32>} : memref<2000x1xf32, #tpu.memory_space<vmem>>, vector<2000x1xf32>,
    return
  }
  func.func @transform_0(%arg0: i32) -> (i32, i32, i32) {
    %c0_i32 = arith.constant 0 : i32
    %c0_i32_0 = arith.constant 0 : i32
    %c0_i32_1 = arith.constant 0 : i32
    return %c0_i32, %arg0, %c0_i32_0 : i32, i32, i32
  }
  func.func @transform_1(%arg0: i32) -> (i32, i32, i32) {
    %c1_i32 = arith.constant 1 : i32
    %c0_i32 = arith.constant 0 : i32
    %c0_i32_0 = arith.constant 0 : i32
    return %c1_i32, %arg0, %c0_i32 : i32, i32, i32
  }
  func.func @transform_2(%arg0: i32) -> (i32, i32, i32) {
    %c0_i32 = arith.constant 0 : i32
    %c0_i32_0 = arith.constant 0 : i32
    %c0_i32_1 = arith.constant 0 : i32
    return %c0_i32, %arg0, %c0_i32_0 : i32, i32, i32
  }
  func.func @transform_3(%arg0: i32) -> (i32, i32, i32) {
    %c1_i32 = arith.constant 1 : i32
    %c0_i32 = arith.constant 0 : i32
    %c0_i32_0 = arith.constant 0 : i32
    return %c1_i32, %arg0, %c0_i32 : i32, i32, i32
  }
  func.func @transform_4(%arg0: i32) -> (i32, i32) {
    %c0_i32 = arith.constant 0 : i32
    %c0_i32_0 = arith.constant 0 : i32
    %c0_i32_1 = arith.constant 0 : i32
    return %c0_i32, %c0_i32_0 : i32, i32
  }
  func.func @transform_5(%arg0: i32) -> (i32, i32) {
    %c0_i32 = arith.constant 0 : i32
    %c0_i32_0 = arith.constant 0 : i32
    return %arg0, %c0_i32 : i32, i32
  }
  func.func @transform_6(%arg0: i32) -> (i32, i32) {
    %c0_i32 = arith.constant 0 : i32
    %c0_i32_0 = arith.constant 0 : i32
    %c0_i32_1 = arith.constant 0 : i32
    return %c0_i32, %c0_i32_0 : i32, i32
  }
  func.func @transform_7(%arg0: i32) -> (i32, i32) {
    %c0_i32 = arith.constant 0 : i32
    %c0_i32_0 = arith.constant 0 : i32
    %c0_i32_1 = arith.constant 0 : i32
    return %c0_i32, %c0_i32_0 : i32, i32
  }
  func.func @transform_8(%arg0: i32) -> (i32, i32) {
    %c0_i32 = arith.constant 0 : i32
    %c0_i32_0 = arith.constant 0 : i32
    return %arg0, %c0_i32 : i32, i32
  }
}

module attributes {stable_mosaic.version = 14 : i64} {
  func.func @_mid_body(%arg0: i32, %arg1: memref<1x2000x128xf32, #tpu.memory_space<vmem>>, %arg2: memref<1x2000x128xf32, #tpu.memory_space<vmem>>, %arg3: memref<1x2000x1xf32, #tpu.memory_space<vmem>>, %arg4: memref<1x2000x1xf32, #tpu.memory_space<vmem>>, %arg5: memref<1x128xf32, #tpu.memory_space<vmem>>, %arg6: memref<2000x128xf32, #tpu.memory_space<vmem>>, %arg7: memref<128x128xf32, #tpu.memory_space<vmem>>, %arg8: memref<128x128xf32, #tpu.memory_space<vmem>>, %arg9: memref<2000x128xf32, #tpu.memory_space<vmem>>, %arg10: memref<2000x128xf32, #tpu.memory_space<vmem>>) attributes {dimension_semantics = [#tpu.dimension_semantics<arbitrary>], iteration_bounds = array<i64: 5>, scalar_prefetch = 0 : i64, scratch_operands = 0 : i64, tpu.core_type = #tpu.core_type<tc>, window_params = [{transform_indices = @transform_0, window_bounds = array<i64: 1, 2000, 128>}, {transform_indices = @transform_1, window_bounds = array<i64: 1, 2000, 128>}, {transform_indices = @transform_2, window_bounds = array<i64: 1, 2000, 1>}, {transform_indices = @transform_3, window_bounds = array<i64: 1, 2000, 1>}, {pipeline_mode = #tpu.pipeline_mode<synchronous>, transform_indices = @transform_4, window_bounds = array<i64: 1, 128>}, {transform_indices = @transform_5, window_bounds = array<i64: 2000, 128>}, {pipeline_mode = #tpu.pipeline_mode<synchronous>, transform_indices = @transform_6, window_bounds = array<i64: 128, 128>}, {pipeline_mode = #tpu.pipeline_mode<synchronous>, transform_indices = @transform_7, window_bounds = array<i64: 128, 128>}, {transform_indices = @transform_8, window_bounds = array<i64: 2000, 128>}, {transform_indices = @transform_9, window_bounds = array<i64: 2000, 128>}]} {
    %get3A = arith.constant 0 : index
    %get3A_0 = arith.constant 0 : index
    %get3A_1 = arith.constant 0 : index
    %get3A_2 = vector.load %arg3[%get3A, %get3A_0, %get3A_1] : memref<1x2000x1xf32, #tpu.memory_space<vmem>>, vector<1x2000x1xf32>
    %get3A_3 = vector.shape_cast %get3A_2 : vector<1x2000x1xf32> to vector<2000x1xf32>
    %get3A_4 = arith.constant 0 : index
    %get3A_5 = arith.constant 0 : index
    %get3A_6 = arith.constant 0 : index
    %get3A_7 = vector.load %arg4[%get3A_4, %get3A_5, %get3A_6] : memref<1x2000x1xf32, #tpu.memory_space<vmem>>, vector<1x2000x1xf32>
    %get3A_8 = vector.shape_cast %get3A_7 : vector<1x2000x1xf32> to vector<2000x1xf32>
    %add3A = arith.addf %get3A_3, %get3A_8 : vector<2000x1xf32>
    %max3A = arith.constant 1.000000e+00 : f32
    %max3A_9 = vector.broadcast %max3A : f32 to vector<2000x1xf32>
    %max3A_10 = arith.maximumf %add3A, %max3A_9 : vector<2000x1xf32>
    %get3A_11 = arith.constant 0 : index
    %get3A_12 = arith.constant 0 : index
    %get3A_13 = arith.constant 0 : index
    %get3A_14 = vector.load %arg1[%get3A_11, %get3A_12, %get3A_13] : memref<1x2000x128xf32, #tpu.memory_space<vmem>>, vector<1x2000x128xf32>
    %get3A_15 = vector.shape_cast %get3A_14 : vector<1x2000x128xf32> to vector<2000x128xf32>
    %get3A_16 = arith.constant 0 : index
    %get3A_17 = arith.constant 0 : index
    %get3A_18 = arith.constant 0 : index
    %get3A_19 = vector.load %arg2[%get3A_16, %get3A_17, %get3A_18] : memref<1x2000x128xf32, #tpu.memory_space<vmem>>, vector<1x2000x128xf32>
    %get3A_20 = vector.shape_cast %get3A_19 : vector<1x2000x128xf32> to vector<2000x128xf32>
    %add3A_21 = arith.addf %get3A_15, %get3A_20 : vector<2000x128xf32>
    %div3A = vector.broadcast %max3A_10 : vector<2000x1xf32> to vector<2000x128xf32>
    %div3A_22 = arith.divf %add3A_21, %div3A : vector<2000x128xf32>
    %get3A_23 = arith.constant 0 : index
    %get3A_24 = arith.constant 0 : index
    %get3A_25 = vector.load %arg5[%get3A_23, %get3A_24] : memref<1x128xf32, #tpu.memory_space<vmem>>, vector<1x128xf32>
    %add3A_26 = vector.broadcast %get3A_25 : vector<1x128xf32> to vector<2000x128xf32>
    %add3A_27 = arith.addf %div3A_22, %add3A_26 : vector<2000x128xf32>
    %get3A_28 = arith.constant 0 : index
    %get3A_29 = arith.constant 0 : index
    %get3A_30 = vector.load %arg6[%get3A_28, %get3A_29] : memref<2000x128xf32, #tpu.memory_space<vmem>>, vector<2000x128xf32>
    %add3A_31 = arith.addf %add3A_27, %get3A_30 : vector<2000x128xf32>
    %max3A_32 = arith.constant 0.000000e+00 : f32
    %max3A_33 = vector.broadcast %max3A_32 : f32 to vector<2000x128xf32>
    %max3A_34 = arith.maximumf %add3A_31, %max3A_33 : vector<2000x128xf32>
    %get3A_35 = arith.constant 0 : index
    %get3A_36 = arith.constant 0 : index
    %get3A_37 = vector.load %arg7[%get3A_35, %get3A_36] : memref<128x128xf32, #tpu.memory_space<vmem>>, vector<128x128xf32>
    %dot_general3A = arith.constant dense<0.000000e+00> : vector<2000x128xf32>
    %dot_general3A_38 = tpu.matmul %max3A_34, %get3A_37, %dot_general3A {dimension_numbers = #tpu.dot_dimension_numbers<[1], [0], [0], [1], [0, 0, 1, 1], [], []>, transpose_lhs_hint = false} : vector<2000x128xf32>, vector<128x128xf32>, vector<2000x128xf32> -> vector<2000x128xf32>
    %swap3A = arith.constant 0 : index
    %swap3A_39 = arith.constant 0 : index
    %swap3A_40 = vector.load %arg9[%swap3A, %swap3A_39] : memref<2000x128xf32, #tpu.memory_space<vmem>>, vector<2000x128xf32>
    tpu.vector_store %arg9[%swap3A, %swap3A_39], %dot_general3A_38 {strides = array<i32>} : memref<2000x128xf32, #tpu.memory_space<vmem>>, vector<2000x128xf32>,
    %get3A_41 = arith.constant 0 : index
    %get3A_42 = arith.constant 0 : index
    %get3A_43 = vector.load %arg8[%get3A_41, %get3A_42] : memref<128x128xf32, #tpu.memory_space<vmem>>, vector<128x128xf32>
    %dot_general3A_44 = arith.constant dense<0.000000e+00> : vector<2000x128xf32>
    %dot_general3A_45 = tpu.matmul %max3A_34, %get3A_43, %dot_general3A_44 {dimension_numbers = #tpu.dot_dimension_numbers<[1], [0], [0], [1], [0, 0, 1, 1], [], []>, transpose_lhs_hint = false} : vector<2000x128xf32>, vector<128x128xf32>, vector<2000x128xf32> -> vector<2000x128xf32>
    %swap3A_46 = arith.constant 0 : index
    %swap3A_47 = arith.constant 0 : index
    %swap3A_48 = vector.load %arg10[%swap3A_46, %swap3A_47] : memref<2000x128xf32, #tpu.memory_space<vmem>>, vector<2000x128xf32>
    tpu.vector_store %arg10[%swap3A_46, %swap3A_47], %dot_general3A_45 {strides = array<i32>} : memref<2000x128xf32, #tpu.memory_space<vmem>>, vector<2000x128xf32>,
    return
  }
  func.func @transform_0(%arg0: i32) -> (i32, i32, i32) {
    %c0_i32 = arith.constant 0 : i32
    %c0_i32_0 = arith.constant 0 : i32
    %c0_i32_1 = arith.constant 0 : i32
    return %c0_i32, %arg0, %c0_i32_0 : i32, i32, i32
  }
  func.func @transform_1(%arg0: i32) -> (i32, i32, i32) {
    %c1_i32 = arith.constant 1 : i32
    %c0_i32 = arith.constant 0 : i32
    %c0_i32_0 = arith.constant 0 : i32
    return %c1_i32, %arg0, %c0_i32 : i32, i32, i32
  }
  func.func @transform_2(%arg0: i32) -> (i32, i32, i32) {
    %c0_i32 = arith.constant 0 : i32
    %c0_i32_0 = arith.constant 0 : i32
    %c0_i32_1 = arith.constant 0 : i32
    return %c0_i32, %arg0, %c0_i32_0 : i32, i32, i32
  }
  func.func @transform_3(%arg0: i32) -> (i32, i32, i32) {
    %c1_i32 = arith.constant 1 : i32
    %c0_i32 = arith.constant 0 : i32
    %c0_i32_0 = arith.constant 0 : i32
    return %c1_i32, %arg0, %c0_i32 : i32, i32, i32
  }
  func.func @transform_4(%arg0: i32) -> (i32, i32) {
    %c0_i32 = arith.constant 0 : i32
    %c0_i32_0 = arith.constant 0 : i32
    %c0_i32_1 = arith.constant 0 : i32
    return %c0_i32, %c0_i32_0 : i32, i32
  }
  func.func @transform_5(%arg0: i32) -> (i32, i32) {
    %c0_i32 = arith.constant 0 : i32
    %c0_i32_0 = arith.constant 0 : i32
    return %arg0, %c0_i32 : i32, i32
  }
  func.func @transform_6(%arg0: i32) -> (i32, i32) {
    %c0_i32 = arith.constant 0 : i32
    %c0_i32_0 = arith.constant 0 : i32
    %c0_i32_1 = arith.constant 0 : i32
    return %c0_i32, %c0_i32_0 : i32, i32
  }
  func.func @transform_7(%arg0: i32) -> (i32, i32) {
    %c0_i32 = arith.constant 0 : i32
    %c0_i32_0 = arith.constant 0 : i32
    %c0_i32_1 = arith.constant 0 : i32
    return %c0_i32, %c0_i32_0 : i32, i32
  }
  func.func @transform_8(%arg0: i32) -> (i32, i32) {
    %c0_i32 = arith.constant 0 : i32
    %c0_i32_0 = arith.constant 0 : i32
    return %arg0, %c0_i32 : i32, i32
  }
  func.func @transform_9(%arg0: i32) -> (i32, i32) {
    %c0_i32 = arith.constant 0 : i32
    %c0_i32_0 = arith.constant 0 : i32
    return %arg0, %c0_i32 : i32, i32
  }
}

</mosaic_0001>

<sc_bundles>
// kernel: kernel.10.cloned.1.call-start
scs
__scs_entry_jumppad:
0x0: {  	(pc) =	sbr.rel $0x88, $3  }
0x1: {  	(tag) =	ssettag $0x0;
	lr =	simm.s32 $0x1  }
0x2: {  	[smem:$0x3F97] =	sst lr;
	_ =	strace $0xD0000000  }
0x3: {  	_ = 	snop  }
0x4: {  	_ = 	snop  }
0x5: {  	_ = 	snop  }
0x6: {  	_ = 	snop  }
0x7: {  	_ = 	snop  }
__scs_overlays_trampoline_lowered:
0x8: {  	[smem:$0x3FA6] =	sst s0  }
0x9: {  	[smem:$0x3FA7] =	sst s1  }
0xa: {  	[smem:$0x3FA8] =	sst s2  }
0xb: {  	[smem:$0x3FA9] =	sst s3  }
0xc: {  	[smem:$0x3FAA] =	sst s4  }
0xd: {  	[smem:$0x3FAB] =	sst s5  }
0xe: {  	[smem:$0x3FAC] =	sst s6  }
0xf: {  	[smem:$0x3FAD] =	sst s7  }
0x10: {  	[smem:$0x3FAE] =	sst s8  }
0x11: {  	[smem:$0x3FAF] =	sst s9;
	s0 =	simm.s32 @!p0 $0x0  }
0x12: {  	s1 =	sld [smem:$0x3F95];
	s0 =	simm.s32 @p0 $0x1  }
0x13: {  	[smem:$0x3FB0] =	sst s0;
	s0 =	simm.s32 @!p1 $0x0  }
0x14: {  	s2 =	sld [smem:$0x3F94];
	s0 =	simm.s32 @p1 $0x1  }
0x15: {  	[smem:$0x3FB1] =	sst s0;
	s0 =	simm.s32 @!p2 $0x0  }
0x16: {  	s3 =	sld [smem:$0x3FDB];
	s0 =	simm.s32 @p2 $0x1  }
0x17: {  	s4 =	simm.s32 $0x1BF5;
	[smem:$0x3FB3] =	sst s0  }
0x18: {  	s0 =	sld [smem:$0x3F96];
	_ =	swait.ge [sflag:s4], $0x0  }
0x19: {  	s7 =	sld [smem:$0x3F97]  }
0x1a: {  	s8 =	sadd.s32 $0xFFFFE003, lr  }
0x1b: {  	s9 =	sadd.s32 $0xFFFFFEF7, lr;
	s5 =	simm.s32 $0xFFFFFFFF;
	p2 =	slt.u32 s8, $0xFFFFF086  }
0x1c: {  	p1 =	slt.u32 s9, $0xF7A;
	s5 =	simm.s32 @!p2 $0x0  }
0x1d: {  	s5 =	simm.s32 @p1 $0x1;
	p0 =	seq.s32 s7, s2  }
0x1e: {  	s7 =	smul.u32 @!p0 $0xF7A, s2;
	p2 =	seq.s32 @!p0 s5, $0x0  }
0x1f: {  	s9 =	smul.u32 $0xF7A, s1;
	s8 =	simm.s32 @!p0 $0x1BF5;
	p2 =	por !p2, p0  }
0x20: {  	[sflag:s8] =	ssyncset.s32 @!p0 $0xFFFFF086;
	s6 =	sadd.s32 @!p0 s3, s7;
	s7 =	simm.s32 @!p0 $0x108  }
0x21: {  	s3 =	sadd.s32 s3, s9;
	s6 =	sadd.s32 @!p0 $0x88, s6;
	s7 =	simm.s32 @p2 $0x1082  }
0x22: {  	[simem:s7], [sflag:s8] =	dma.local @!p0 [hbm:s6], $0xF7A  }
0x23: {  	s9 =	sor.u32 $0xD0000000, s2;
	s6 =	simm.s32 $0x108;
	_ =	swait.ge @!p0 [sflag:s8], $0x0  }
0x24: {  	s3 =	sadd.s32 $0x88, s3;
	s6 =	simm.s32 @!p1 $0x1082;
	[sflag:s4] =	ssyncset.s32 $0xFFFFF086  }
0x25: {  	[simem:s6], [sflag:s4] =	dma.local [hbm:s3], $0xF7A  }
0x26: {  	[smem:$0x3F97] =	sst s1;
	(tag) =	ssettag s2;
	_ =	strace s9  }
0x27: {  	s1 =	sld [smem:$0x3FA7]  }
0x28: {  	s2 =	sld [smem:$0x3FA8]  }
0x29: {  	s4 =	sld [smem:$0x3FAA]  }
0x2a: {  	p0 =	seq.s32 s5, $0x0;
	s5 =	sld [smem:$0x3FAB]  }
0x2b: {  	s6 =	sld [smem:$0x3FAC]  }
0x2c: {  	s7 =	sld [smem:$0x3FAD]  }
0x2d: {  	s3 =	simm.s32 $0x108;
	s8 =	sld [smem:$0x3FAE]  }
0x2e: {  	s3 =	simm.s32 @!p0 $0x1082;
	s9 =	sld [smem:$0x3FAF]  }
0x2f: {  	lr =	sadd.s32 s0, s3;
	s0 =	sld [smem:$0x3FA6]  }
0x30: {  	s3 =	sld [smem:$0x3FA9]  }
0x31: {  	[smem:$0x3FB2] =	sst s10  }
0x32: {  	s10 =	sld [smem:$0x3FB0];
	_ =	sdelay $0x3  }
0x33: {  	p0 =	seq.s32 s10, $0x1;
	s10 =	sld [smem:$0x3FB2];
	_ =	sdelay $0x3  }
0x34: {  	[smem:$0x3FB2] =	sst s10  }
0x35: {  	s10 =	sld [smem:$0x3FB1];
	_ =	sdelay $0x3  }
0x36: {  	p1 =	seq.s32 s10, $0x1;
	s10 =	sld [smem:$0x3FB2];
	_ =	sdelay $0x3  }
0x37: {  	[smem:$0x3FB2] =	sst s10  }
0x38: {  	s10 =	sld [smem:$0x3FB3]  }
0x39: {  	_ = 	snop;
	(pc) =	sbr.ind lr, $3  }
0x3a: {  	_ = 	snop  }
0x3b: {  	_ = 	snop  }
0x3c: {  	p2 =	seq.s32 s10, $0x1;
	s10 =	sld [smem:$0x3FB2]  }
0x3d: {  	_ =	shalt  }
0x3e: {  	_ =	shalt  }
0x3f: {  	_ =	shalt  }
0x40: {  	_ =	shalt  }
0x41: {  	_ =	shalt  }
0x42: {  	_ =	shalt  }
0x43: {  	_ =	shalt  }
0x44: {  	_ =	shalt  }
0x45: {  	_ =	shalt  }
0x46: {  	_ =	shalt  }
0x47: {  	_ =	shalt  }
0x48: {  	_ =	shalt  }
0x49: {  	_ =	shalt  }
0x4a: {  	_ =	shalt  }
0x4b: {  	_ =	shalt  }
0x4c: {  	_ =	shalt  }
0x4d: {  	_ =	shalt  }
0x4e: {  	_ =	shalt  }
0x4f: {  	_ =	shalt  }
0x50: {  	_ =	shalt  }
0x51: {  	_ =	shalt  }
0x52: {  	_ =	shalt  }
0x53: {  	_ =	shalt  }
0x54: {  	_ =	shalt  }
0x55: {  	_ =	shalt  }
0x56: {  	_ =	shalt  }
0x57: {  	_ =	shalt  }
0x58: {  	_ =	shalt  }
0x59: {  	_ =	shalt  }
0x5a: {  	_ =	shalt  }
0x5b: {  	_ =	shalt  }
0x5c: {  	_ =	shalt  }
0x5d: {  	_ =	shalt  }
0x5e: {  	_ =	shalt  }
0x5f: {  	_ =	shalt  }
0x60: {  	_ =	shalt  }
0x61: {  	_ =	shalt  }
0x62: {  	_ =	shalt  }
0x63: {  	_ =	shalt  }
0x64: {  	_ =	shalt  }
0x65: {  	_ =	shalt  }
0x66: {  	_ =	shalt  }
0x67: {  	_ =	shalt  }
0x68: {  	_ =	shalt  }
0x69: {  	_ =	shalt  }
0x6a: {  	_ =	shalt  }
0x6b: {  	_ =	shalt  }
0x6c: {  	_ =	shalt  }
0x6d: {  	_ =	shalt  }
0x6e: {  	_ =	shalt  }
0x6f: {  	_ =	shalt  }
0x70: {  	_ =	shalt  }
0x71: {  	_ =	shalt  }
0x72: {  	_ =	shalt  }
0x73: {  	_ =	shalt  }
0x74: {  	_ =	shalt  }
0x75: {  	_ =	shalt  }
0x76: {  	_ =	shalt  }
0x77: {  	_ =	shalt  }
0x78: {  	_ =	shalt  }
0x79: {  	_ =	shalt  }
0x7a: {  	_ =	shalt  }
0x7b: {  	_ =	shalt  }
0x7c: {  	_ =	shalt  }
0x7d: {  	_ =	shalt  }
0x7e: {  	_ =	shalt  }
0x7f: {  	_ =	shalt  }
0x80: {  	_ =	shalt  }
0x81: {  	_ =	shalt  }
0x82: {  	_ =	shalt  }
0x83: {  	_ =	shalt  }
0x84: {  	_ =	shalt  }
0x85: {  	_ =	shalt  }
0x86: {  	_ =	shalt  }
0x87: {  	_ =	shalt  }
.Lfunc_end0:
.L_simem_size_0:
called_computation.1_lowered:
.L_overlay_start_0:
0x88: {  	s2 =	sld [smem:$0x3FD9]  }
0x89: {  	s3 =	sld [smem:$0x3FFE];
	_ =	sdelay $0x1  }
0x8a: {  	s1 =	srdreg.scid  }
0x8b: {  	s0 =	sand.u32 $0x1, s1  }
0x8c: {  	s16 =	sshll.u32 s0, $0xA;
	s2 =	sadd.s32 s3, s2  }
0x8d: {  	s2 =	sadd.s32 s2, s16  }
0x8e: {  	[smem:$0x3FBE] =	sst s2  }
0x8f: {  	_ = 	snop  }
0x90: {  	(tm) =	ssettm $0x1  }
0x91: {  	s17 =	sld [smem:$0x3FFB];
	_ =	sdelay $0x3  }
0x92: {  	_ =	strace s17  }
0x93: {  	s2 =	sld [smem:$0x3FFC];
	_ =	sdelay $0x3  }
0x94: {  	_ =	strace s2  }
0x95: {  	s2 =	sld [smem:$0x3FFD];
	_ =	sdelay $0x3  }
0x96: {  	_ =	strace s2  }
0x97: {  	_ =	strace $0x8FFFFFFF  }
0x98: {  	s18 =	sld [smem:$0x3FDB];
	_ =	sdelay $0x1  }
0x99: {  	s19 =	simm.s32 $_scs_section_size  }
0x9a: {  	s4 =	simm.s32 $_size__tile_overlayer_lowered;
	s5 =	simm.s32 $_tile_overlayer_lowered  }
0x9b: {  	s22 =	simm.s32 $0x1BFF;
	s21 =	sshll.u32 s5, $0x1;
	s2 =	sadd.s32 s19, s18  }
0x9c: {  	s6 =	simm.s32 $0x0;
	s20 =	sshll.u32 s4, $0x1;
	s4 =	sadd.s32 s21, s2  }
0x9d: {  	[timem:s6], [sflag:s22] =	dma.local [hbm:s4], s20  }
0x9e: {  	_ =	swait.ge [sflag:s22], s20  }
0x9f: {  	s3 =	ssub.s32 $0x0, s20;
	[sflag:s22] =	ssyncset.done $0x0  }
0xa0: {  	[sflag:s22] =	ssyncadd.s32 s3;
	_ =	sdelay $0x1  }
0xa1: {  	s23 =	simm.s32 $0x1B8B  }
0xa2: {  	_ =	swait.ge [sflag:s23], $0x1  }
0xa3: {  	[sflag:s23] =	ssyncset.done $0x0  }
0xa4: {  	s25 =	simm.s32 $0x1B8E;
	s24 =	sld [smem:$0x3FFE];
	[sflag:s23] =	ssyncadd.s32 $0xFFFFFFFF  }
0xa5: {  	s26 =	simm.s32 $execute0_lowered;
	[smem:$0x3FD2] =	sst s25  }
0xa6: {  	s4 =	sshll.u32 s26, $0x1;
	_ =	strace $0x80000049;
	[dreg:$0x1] =	wrdreg $0xFFFFFFFF  }
0xa7: {  	s28 =	simm.s32 $_size_execute0_lowered;
	s2 =	sadd.s32 s2, s4;
	[dreg:$0x0] =	wrdreg $0x0  }
0xa8: {  	s4 =	sshll.u32 s28, $0x1;
	[dreg:$0x2] =	wrdreg s2  }
0xa9: {  	[dreg:$0x3] =	wrdreg s4  }
0xaa: {  	[dreg:$0x4] =	wrdreg $0xC0  }
0xab: {  	_ =	task [dreg:s6], $0x5FFFF  }
0xac: {  	[dreg:$0x1] =	wrdreg $0xFFFFFFFF  }
0xad: {  	[dreg:$0x0] =	wrdreg $0x60  }
0xae: {  	[dreg:$0x2] =	wrdreg s24  }
0xaf: {  	[dreg:$0x3] =	wrdreg $0x90000  }
0xb0: {  	[dreg:$0x4] =	wrdreg $0x9  }
0xb1: {  	_ =	task.clear_ibuf [dreg:s6], $0x5FFFF;
	_ =	strace $0x90000049  }
0xb2: {  	s29 =	simm.s32 $0x9;
	_ =	strace $0x8000004B  }
0xb3: {  	_ =	swait.ge [sflag:s29], $0x1  }
0xb4: {  	[sflag:s29] =	ssyncadd.s32 $0xFFFFFFFF  }
0xb5: {  	_ =	strace $0x9000004B  }
0xb6: {  	_ =	sfence  }
0xb7: {  	s30 =	sld [smem:$0x0];
	_ =	sdelay $0x2  }
0xb8: {  	s31 =	sshll.u32 s1, $0xD;
	s1 =	sshrl.u32 s1, $0x2  }
0xb9: {  	s3 =	sand.u32 $0x4000, s31;
	s1 =	sadd.s32 s1, s30  }
0xba: {  	s0 =	sor.u32 s3, s0;
	s1 =	sshll.u32 s1, $0x11  }
0xbb: {  	s0 =	sor.u32 s1, s0  }
0xbc: {  	s0 =	sadd.s32 $0x8F2B, s0  }
0xbd: {  	[sflag:s0] =	ssyncadd.remote.s32 $0x1  }
0xbe: {  	_ =	sfence.sel $0xFFFF  }
0xbf: {  	[dreg:$0x0] =	wrdreg $0xFFFFFFFF;
	(pc) =	sbr.abs _section_cstart, $3  }
0xc0: {  	[dreg:$0x1] =	wrdreg $0xFFFFFFFF  }
0xc1: {  	_ =	task.clear_ibuf [dreg:s6], $0x2FFFF;
	_ =	strace $0x9FFFFFFF  }
0xc2: {  	(tm) =	ssettm $0x7FFFFFFF  }
0xc3: {  	_ =	shalt  }
tec
execute0_lowered:
.L_overlay_start_1:
0x0: {  	(tag) =	ssettag $0x1  }
0x1: {  	s0 =	srdreg.scid;
	s6 =	rddreg [dreg:$0x0]  }
0x2: {  	s2 =	rddreg [dreg:$0x1];
	s3 =	simm.s32 $0x0;
	s14 =	simm.s32 $0x80  }
0x3: {  	s15 =	simm.s32 $0x5000;
	s5 =	sand.u32 $0x1, s0;
	s0 =	stileid.u32  }
0x4: {  	s16 =	simm.s32 $0x1;
	s17 =	simm.s32 $0x0;
	s8 =	smul.u32 $0x14000, s0  }
0x5: {  	[smem:$0x7FF] =	sst s3;
	s1 =	sshll.u32 s5, $0x4;
	s9 =	smul.u32 $0x140000, s5  }
0x6: {  	s5 =	ssub.s32 $0x2, s5;
	s29 =	smul.u32 $0x50000, s0;
	s31 =	sshll.u32 s0, $0x6  }
0x7: {  	s4 =	sor.u32 s0, s1;
	s1 =	rddreg [dreg:$0x2];
	_ =	strace $0x8000004A  }
0x8: {  	s11 =	sshrl.u32 s5, $0x1;
	s7 =	smul.u32 $0x500, s4;
	s4 =	sadd.s32 $0x15800, s6  }
0x9: {  	s28 =	sshrl.u32 s8, $0x3;
	s8 =	sadd.s32 s8, s9;
	s30 =	sshrl.u32 s29, $0x2  }
0xa: {  	s11 =	ssub.s32 s5, s11;
	s8 =	sshrl.u32 s8, $0x3;
	s13 =	sadd.s32 s30, s2  }
0xb: {  	s10 =	sadd.s32 s7, s6;
	s7 =	sadd.s32 s28, s6;
	s12 =	sadd.s32 s8, s6  }
0xc: {  	s6 =	sor.u32 $0x1C02, s31;
	s5 =	sadd.s32 $0x3CA00, s7;
	s7 =	sadd.s32 $0x1800, s10  }
0xd: {  	s8 =	sadd.s32 $0xB800, s10;
	s9 =	sadd.s32 $0x64A00, s12;
	s10 =	smax.u32 s11, $0x1  }
0xe: {  	s11 =	sshrl.u32 s13, $0x3;
	s12 =	simm.s32 $0x2;
	s13 =	simm.s32 $0x2800  }
.LBB2_1:
0xf: {  	[spmem:s11], [sflag:s6] =	dma.local [hbm:s5], $0x2800  }
0x10: {  	_ =	swait.ge [sflag:s12], $0x2800  }
0x11: {  	[sflag:s12] =	ssyncset.done $0x0  }
0x12: {  	[sflag:s12] =	ssyncadd.s32 $0xFFFFD800  }
0x13: {  	[tilespmem:s3], [sflag:$0x2] =	stream.linear.gather [hbm4b:s7+s3], $0x2800, $0x38;
	[tilespmem:$0x1D000] =	vst v63  }
0x14: {  	_ =	swait.ge [sflag:s12], $0x2800  }
0x15: {  	[sflag:s12] =	ssyncset.done $0x0  }
0x16: {  	[sflag:s12] =	ssyncadd.s32 $0xFFFFD800  }
0x17: {  	[tilespmem:s13], [sflag:$0x2] =	stream.linear.gather [hbm4b:s8+s3], $0x2800, $0x38;
	[tilespmem:$0x1D000] =	vst v63  }
0x18: {  	_ =	swait.ge [sflag:s12], $0x2800  }
0x19: {  	[sflag:s12] =	ssyncset.done $0x0  }
0x1a: {  	[sflag:s12] =	ssyncadd.s32 $0xFFFFD800  }
0x1b: {  	s18 =	simm.s32 $0x0;
	[bflag:$0x0] =	sbarrier.arrive $0xFFFF  }
0x1c: {  	[tilespmem:s15], [sflag:$0x1] =	stream.indirect.gather [hbm4b:s4+s14], $0x80, s18, s14, $0xb8;
	[tilespmem:$0x1D000] =	vst v63  }
0x1d: {  	_ =	swait.ge [sflag:s16], $0x4000  }
0x1e: {  	[sflag:s16] =	ssyncset.done $0x0  }
0x1f: {  	s31 =	simm.s32 $0x2800;
	[sflag:s16] =	ssyncadd.s32 $0xFFFFC000  }
0x20: {  	[spmem:s2] =	stream.indirect.scatter.add.f32 [tilespmem:s15], [sflag:$0x2], $0x80, s31, s14, $0xb8;
	[tilespmem:$0x1D000] =	vst v63  }
0x21: {  	_ =	swait.ge [sflag:s12], $0x4000  }
0x22: {  	s19 =	simm.s32 $0x400;
	s18 =	simm.s32 $0x200;
	[sflag:s12] =	ssyncset.done $0x0  }
.LBB2_2:
0x23: {  	s20 =	sshra.s32 s18, $0x2  }
0x24: {  	[sflag:s12] =	ssyncadd.s32 $0xFFFFC000;
	s18 =	smov.u32 s19;
	s21 =	sadd.s32 $0x200, s19  }
0x25: {  	[tilespmem:s15], [sflag:$0x1] =	stream.indirect.gather [hbm4b:s4+s14], $0x80, s20, s14, $0xb8;
	[tilespmem:$0x1D000] =	vst v63  }
0x26: {  	p0 =	sne.s32 s19, $0x9E00;
	_ =	swait.ge [sflag:s16], $0x4000  }
.Ltmp0:
0x27: {  	[sflag:s16] =	ssyncset.done $0x0;
	(pc) =	sbr.rel @p0 .LBB2_2-.Ltmp0, $4  }
0x28: {  	s19 =	sadd.s32 $0x2800, s20;
	[sflag:s16] =	ssyncadd.s32 $0xFFFFC000  }
0x29: {  	[spmem:s2] =	stream.indirect.scatter.add.f32 [tilespmem:s15], [sflag:$0x2], $0x80, s19, s14, $0xb8;
	[tilespmem:$0x1D000] =	vst v63  }
0x2a: {  	_ =	swait.ge [sflag:s12], $0x4000  }
0x2b: {  	s19 =	smov.u32 s21;
	[sflag:s12] =	ssyncset.done $0x0  }
0x2c: {  	s18 =	sshra.s32 s18, $0x2;
	[sflag:s12] =	ssyncadd.s32 $0xFFFFC000  }
0x2d: {  	[tilespmem:s15], [sflag:$0x1] =	stream.indirect.gather [hbm4b:s4+s14], $0x80, s18, s14, $0xb8;
	[tilespmem:$0x1D000] =	vst v63  }
0x2e: {  	_ =	swait.ge [sflag:s16], $0x4000  }
0x2f: {  	[sflag:s16] =	ssyncset.done $0x0  }
0x30: {  	s18 =	sadd.s32 $0x2800, s18;
	[sflag:s16] =	ssyncadd.s32 $0xFFFFC000  }
0x31: {  	[spmem:s2] =	stream.indirect.scatter.add.f32 [tilespmem:s15], [sflag:$0x2], $0x80, s18, s14, $0xb8;
	[tilespmem:$0x1D000] =	vst v63  }
0x32: {  	_ =	swait.ge [sflag:s12], $0x4000  }
0x33: {  	s17 =	sadd.s32 $0x1, s17;
	[sflag:s12] =	ssyncset.done $0x0  }
0x34: {  	p0 =	sne.s32 s17, s10;
	[sflag:s12] =	ssyncadd.s32 $0xFFFFC000  }
.Ltmp1:
0x35: {  	[bflag:$0x0] =	sbarrier.arrive $0xFFFF;
	(pc) =	sbr.rel @p0 .LBB2_1-.Ltmp1, $4  }
0x36: {  	[hbm:s9], [sflag:s6] =	dma.local [spmem:s11], $0x2800  }
0x37: {  	_ =	swait.ge [sflag:s12], $0x2800  }
0x38: {  	[sflag:s12] =	ssyncset.done $0x0  }
0x39: {  	[sflag:s12] =	ssyncadd.s32 $0xFFFFD800  }
0x3a: {  	_ =	sfence.sel $0x180000  }
0x3b: {  	[bflag:$0x0] =	sbarrier.arrive $0xFFFF  }
0x3c: {  	p0 =	sne.s32 s0, $0x0;
	_ =	strace $0x9000004A  }
0x3d: {  	s0 =	sadd.s32 @!p0 $0x100000, s1;
	[bflag:$0x2] =	sbarrier.arrive $0xFFFF  }
0x3e: {  	[sflag:s0] =	ssyncadd.tile.s32 @!p0 $0x1;
	_ =	shalt  }
.Lfunc_end2:
_tile_overlayer_lowered:
.L_overlay_start_2:
0x3f: {  	(tag) =	ssettag $0x2  }
0x40: {  	s0 =	rddreg [dreg:$0x0];
	s2 =	stileid.u32  }
0x41: {  	s1 =	rddreg [dreg:$0x1];
	p0 =	sne.s32 s2, $0x0  }
0x42: {  	s3 =	rddreg [dreg:$0x2];
	[bflag:$0x3] =	sbarrier.arrive $0xFFFF;
	s2 =	simm.s32 @!p0 $0x1C02  }
0x43: {  	[timem:s3], [sflag:s2] =	dma.local @!p0 [hbm:s0], s1  }
0x44: {  	s0 =	simm.s32 @!p0 $0x2  }
0x45: {  	_ =	swait.ge @!p0 [sflag:s0], s1  }
0x46: {  	s1 =	ssub.s32 @!p0 $0x0, s1;
	[sflag:s0] =	ssyncset.done @!p0 $0x0  }
0x47: {  	[sflag:s0] =	ssyncadd.s32 @!p0 s1  }
0x48: {  	[bflag:$0x3] =	sbarrier.arrive $0xFFFF  }
0x49: {  	_ =	shalt  }

// kernel: kernel.7.cloned.1.call-start
scs
__scs_entry_jumppad:
0x0: {  	(pc) =	sbr.rel $0x88, $3  }
0x1: {  	(tag) =	ssettag $0x0;
	lr =	simm.s32 $0x1  }
0x2: {  	[smem:$0x3F97] =	sst lr;
	_ =	strace $0xD0000000  }
0x3: {  	_ = 	snop  }
0x4: {  	_ = 	snop  }
0x5: {  	_ = 	snop  }
0x6: {  	_ = 	snop  }
0x7: {  	_ = 	snop  }
__scs_overlays_trampoline_lowered:
0x8: {  	[smem:$0x3FA6] =	sst s0  }
0x9: {  	[smem:$0x3FA7] =	sst s1  }
0xa: {  	[smem:$0x3FA8] =	sst s2  }
0xb: {  	[smem:$0x3FA9] =	sst s3  }
0xc: {  	[smem:$0x3FAA] =	sst s4  }
0xd: {  	[smem:$0x3FAB] =	sst s5  }
0xe: {  	[smem:$0x3FAC] =	sst s6  }
0xf: {  	[smem:$0x3FAD] =	sst s7  }
0x10: {  	[smem:$0x3FAE] =	sst s8  }
0x11: {  	[smem:$0x3FAF] =	sst s9;
	s0 =	simm.s32 @!p0 $0x0  }
0x12: {  	s1 =	sld [smem:$0x3F95];
	s0 =	simm.s32 @p0 $0x1  }
0x13: {  	[smem:$0x3FB0] =	sst s0;
	s0 =	simm.s32 @!p1 $0x0  }
0x14: {  	s2 =	sld [smem:$0x3F94];
	s0 =	simm.s32 @p1 $0x1  }
0x15: {  	[smem:$0x3FB1] =	sst s0;
	s0 =	simm.s32 @!p2 $0x0  }
0x16: {  	s3 =	sld [smem:$0x3FDB];
	s0 =	simm.s32 @p2 $0x1  }
0x17: {  	s4 =	simm.s32 $0x1BF5;
	[smem:$0x3FB3] =	sst s0  }
0x18: {  	s0 =	sld [smem:$0x3F96];
	_ =	swait.ge [sflag:s4], $0x0  }
0x19: {  	s7 =	sld [smem:$0x3F97]  }
0x1a: {  	s8 =	sadd.s32 $0xFFFFE003, lr  }
0x1b: {  	s9 =	sadd.s32 $0xFFFFFEF7, lr;
	s5 =	simm.s32 $0xFFFFFFFF;
	p2 =	slt.u32 s8, $0xFFFFF086  }
0x1c: {  	p1 =	slt.u32 s9, $0xF7A;
	s5 =	simm.s32 @!p2 $0x0  }
0x1d: {  	s5 =	simm.s32 @p1 $0x1;
	p0 =	seq.s32 s7, s2  }
0x1e: {  	s7 =	smul.u32 @!p0 $0xF7A, s2;
	p2 =	seq.s32 @!p0 s5, $0x0  }
0x1f: {  	s9 =	smul.u32 $0xF7A, s1;
	s8 =	simm.s32 @!p0 $0x1BF5;
	p2 =	por !p2, p0  }
0x20: {  	[sflag:s8] =	ssyncset.s32 @!p0 $0xFFFFF086;
	s6 =	sadd.s32 @!p0 s3, s7;
	s7 =	simm.s32 @!p0 $0x108  }
0x21: {  	s3 =	sadd.s32 s3, s9;
	s6 =	sadd.s32 @!p0 $0x88, s6;
	s7 =	simm.s32 @p2 $0x1082  }
0x22: {  	[simem:s7], [sflag:s8] =	dma.local @!p0 [hbm:s6], $0xF7A  }
0x23: {  	s9 =	sor.u32 $0xD0000000, s2;
	s6 =	simm.s32 $0x108;
	_ =	swait.ge @!p0 [sflag:s8], $0x0  }
0x24: {  	s3 =	sadd.s32 $0x88, s3;
	s6 =	simm.s32 @!p1 $0x1082;
	[sflag:s4] =	ssyncset.s32 $0xFFFFF086  }
0x25: {  	[simem:s6], [sflag:s4] =	dma.local [hbm:s3], $0xF7A  }
0x26: {  	[smem:$0x3F97] =	sst s1;
	(tag) =	ssettag s2;
	_ =	strace s9  }
0x27: {  	s1 =	sld [smem:$0x3FA7]  }
0x28: {  	s2 =	sld [smem:$0x3FA8]  }
0x29: {  	s4 =	sld [smem:$0x3FAA]  }
0x2a: {  	p0 =	seq.s32 s5, $0x0;
	s5 =	sld [smem:$0x3FAB]  }
0x2b: {  	s6 =	sld [smem:$0x3FAC]  }
0x2c: {  	s7 =	sld [smem:$0x3FAD]  }
0x2d: {  	s3 =	simm.s32 $0x108;
	s8 =	sld [smem:$0x3FAE]  }
0x2e: {  	s3 =	simm.s32 @!p0 $0x1082;
	s9 =	sld [smem:$0x3FAF]  }
0x2f: {  	lr =	sadd.s32 s0, s3;
	s0 =	sld [smem:$0x3FA6]  }
0x30: {  	s3 =	sld [smem:$0x3FA9]  }
0x31: {  	[smem:$0x3FB2] =	sst s10  }
0x32: {  	s10 =	sld [smem:$0x3FB0];
	_ =	sdelay $0x3  }
0x33: {  	p0 =	seq.s32 s10, $0x1;
	s10 =	sld [smem:$0x3FB2];
	_ =	sdelay $0x3  }
0x34: {  	[smem:$0x3FB2] =	sst s10  }
0x35: {  	s10 =	sld [smem:$0x3FB1];
	_ =	sdelay $0x3  }
0x36: {  	p1 =	seq.s32 s10, $0x1;
	s10 =	sld [smem:$0x3FB2];
	_ =	sdelay $0x3  }
0x37: {  	[smem:$0x3FB2] =	sst s10  }
0x38: {  	s10 =	sld [smem:$0x3FB3]  }
0x39: {  	_ = 	snop;
	(pc) =	sbr.ind lr, $3  }
0x3a: {  	_ = 	snop  }
0x3b: {  	_ = 	snop  }
0x3c: {  	p2 =	seq.s32 s10, $0x1;
	s10 =	sld [smem:$0x3FB2]  }
0x3d: {  	_ =	shalt  }
0x3e: {  	_ =	shalt  }
0x3f: {  	_ =	shalt  }
0x40: {  	_ =	shalt  }
0x41: {  	_ =	shalt  }
0x42: {  	_ =	shalt  }
0x43: {  	_ =	shalt  }
0x44: {  	_ =	shalt  }
0x45: {  	_ =	shalt  }
0x46: {  	_ =	shalt  }
0x47: {  	_ =	shalt  }
0x48: {  	_ =	shalt  }
0x49: {  	_ =	shalt  }
0x4a: {  	_ =	shalt  }
0x4b: {  	_ =	shalt  }
0x4c: {  	_ =	shalt  }
0x4d: {  	_ =	shalt  }
0x4e: {  	_ =	shalt  }
0x4f: {  	_ =	shalt  }
0x50: {  	_ =	shalt  }
0x51: {  	_ =	shalt  }
0x52: {  	_ =	shalt  }
0x53: {  	_ =	shalt  }
0x54: {  	_ =	shalt  }
0x55: {  	_ =	shalt  }
0x56: {  	_ =	shalt  }
0x57: {  	_ =	shalt  }
0x58: {  	_ =	shalt  }
0x59: {  	_ =	shalt  }
0x5a: {  	_ =	shalt  }
0x5b: {  	_ =	shalt  }
0x5c: {  	_ =	shalt  }
0x5d: {  	_ =	shalt  }
0x5e: {  	_ =	shalt  }
0x5f: {  	_ =	shalt  }
0x60: {  	_ =	shalt  }
0x61: {  	_ =	shalt  }
0x62: {  	_ =	shalt  }
0x63: {  	_ =	shalt  }
0x64: {  	_ =	shalt  }
0x65: {  	_ =	shalt  }
0x66: {  	_ =	shalt  }
0x67: {  	_ =	shalt  }
0x68: {  	_ =	shalt  }
0x69: {  	_ =	shalt  }
0x6a: {  	_ =	shalt  }
0x6b: {  	_ =	shalt  }
0x6c: {  	_ =	shalt  }
0x6d: {  	_ =	shalt  }
0x6e: {  	_ =	shalt  }
0x6f: {  	_ =	shalt  }
0x70: {  	_ =	shalt  }
0x71: {  	_ =	shalt  }
0x72: {  	_ =	shalt  }
0x73: {  	_ =	shalt  }
0x74: {  	_ =	shalt  }
0x75: {  	_ =	shalt  }
0x76: {  	_ =	shalt  }
0x77: {  	_ =	shalt  }
0x78: {  	_ =	shalt  }
0x79: {  	_ =	shalt  }
0x7a: {  	_ =	shalt  }
0x7b: {  	_ =	shalt  }
0x7c: {  	_ =	shalt  }
0x7d: {  	_ =	shalt  }
0x7e: {  	_ =	shalt  }
0x7f: {  	_ =	shalt  }
0x80: {  	_ =	shalt  }
0x81: {  	_ =	shalt  }
0x82: {  	_ =	shalt  }
0x83: {  	_ =	shalt  }
0x84: {  	_ =	shalt  }
0x85: {  	_ =	shalt  }
0x86: {  	_ =	shalt  }
0x87: {  	_ =	shalt  }
.Lfunc_end0:
.L_simem_size_0:
called_computation_lowered:
.L_overlay_start_0:
0x88: {  	s2 =	sld [smem:$0x3FD9]  }
0x89: {  	s3 =	sld [smem:$0x3FFE];
	_ =	sdelay $0x1  }
0x8a: {  	s1 =	srdreg.scid  }
0x8b: {  	s0 =	sand.u32 $0x1, s1  }
0x8c: {  	s17 =	sshll.u32 s0, $0xA;
	s2 =	sadd.s32 s3, s2  }
0x8d: {  	s2 =	sadd.s32 s2, s17  }
0x8e: {  	[smem:$0x3FBE] =	sst s2  }
0x8f: {  	_ = 	snop  }
0x90: {  	s2 =	sld [smem:$0x3FD0];
	(tm) =	ssettm $0x1  }
0x91: {  	s18 =	sld [smem:$0x3FFB];
	_ =	sdelay $0x3  }
0x92: {  	_ =	strace s18  }
0x93: {  	s3 =	sld [smem:$0x3FFC];
	_ =	sdelay $0x3  }
0x94: {  	_ =	strace s3  }
0x95: {  	s3 =	sld [smem:$0x3FFD];
	_ =	sdelay $0x3  }
0x96: {  	_ =	strace s3  }
0x97: {  	_ =	strace $0x8FFFFFFF  }
0x98: {  	s19 =	sld [smem:$0x3FDB];
	_ =	sdelay $0x1  }
0x99: {  	s4 =	simm.s32 $_scs_section_size  }
0x9a: {  	s5 =	simm.s32 $_size__tile_overlayer_lowered;
	s6 =	simm.s32 $_tile_overlayer_lowered  }
0x9b: {  	s22 =	simm.s32 $0x1BFF;
	s21 =	sshll.u32 s6, $0x1;
	s3 =	sadd.s32 s4, s19  }
0x9c: {  	s7 =	simm.s32 $0x0;
	s20 =	sshll.u32 s5, $0x1;
	s5 =	sadd.s32 s21, s3  }
0x9d: {  	[timem:s7], [sflag:s22] =	dma.local [hbm:s5], s20  }
0x9e: {  	_ =	swait.ge [sflag:s22], s20  }
0x9f: {  	s4 =	ssub.s32 $0x0, s20;
	[sflag:s22] =	ssyncset.done $0x0  }
0xa0: {  	[sflag:s22] =	ssyncadd.s32 s4;
	_ =	sdelay $0x1  }
0xa1: {  	s23 =	simm.s32 $0x1B8B  }
0xa2: {  	_ =	swait.ge [sflag:s23], $0x1  }
0xa3: {  	[sflag:s23] =	ssyncset.done $0x0  }
0xa4: {  	s25 =	simm.s32 $0x1B8E;
	s24 =	sld [smem:$0x3FFE];
	[sflag:s23] =	ssyncadd.s32 $0xFFFFFFFF  }
0xa5: {  	s26 =	simm.s32 $execute0_lowered;
	[smem:$0x3FD2] =	sst s25  }
0xa6: {  	s5 =	sshll.u32 s26, $0x1;
	_ =	strace $0x80000046;
	[dreg:$0x1] =	wrdreg $0xFFFFFFFF  }
0xa7: {  	s28 =	simm.s32 $_size_execute0_lowered;
	s3 =	sadd.s32 s3, s5;
	[dreg:$0x0] =	wrdreg $0x0  }
0xa8: {  	s5 =	sshll.u32 s28, $0x1;
	[dreg:$0x2] =	wrdreg s3  }
0xa9: {  	[dreg:$0x3] =	wrdreg s5  }
0xaa: {  	[dreg:$0x4] =	wrdreg $0xC0  }
0xab: {  	_ =	task [dreg:s7], $0x5FFFF  }
0xac: {  	[dreg:$0x1] =	wrdreg $0xFFFFFFFF  }
0xad: {  	[dreg:$0x0] =	wrdreg $0x60  }
0xae: {  	[dreg:$0x2] =	wrdreg s24  }
0xaf: {  	[dreg:$0x3] =	wrdreg s2  }
0xb0: {  	[dreg:$0x4] =	wrdreg $0x90800  }
0xb1: {  	[dreg:$0x5] =	wrdreg $0x1D0800  }
0xb2: {  	[dreg:$0x6] =	wrdreg $0x9  }
0xb3: {  	_ =	task.clear_ibuf [dreg:s7], $0x7FFFF;
	_ =	strace $0x90000046  }
0xb4: {  	s29 =	simm.s32 $0x9;
	_ =	strace $0x80000048  }
0xb5: {  	_ =	swait.ge [sflag:s29], $0x1  }
0xb6: {  	[sflag:s29] =	ssyncadd.s32 $0xFFFFFFFF  }
0xb7: {  	_ =	strace $0x90000048  }
0xb8: {  	_ =	sfence  }
0xb9: {  	s30 =	sld [smem:$0x0];
	_ =	sdelay $0x2  }
0xba: {  	s31 =	sshll.u32 s1, $0xD;
	s1 =	sshrl.u32 s1, $0x2  }
0xbb: {  	s3 =	sand.u32 $0x4000, s31;
	s1 =	sadd.s32 s1, s30  }
0xbc: {  	s0 =	sor.u32 s3, s0;
	s1 =	sshll.u32 s1, $0x11  }
0xbd: {  	s0 =	sor.u32 s1, s0  }
0xbe: {  	s0 =	sadd.s32 $0x8F2B, s0  }
0xbf: {  	[sflag:s0] =	ssyncadd.remote.s32 $0x1  }
0xc0: {  	_ =	sfence.sel $0xFFFF  }
0xc1: {  	[dreg:$0x0] =	wrdreg $0xFFFFFFFF;
	(pc) =	sbr.abs _section_cstart, $3  }
0xc2: {  	[dreg:$0x1] =	wrdreg $0xFFFFFFFF  }
0xc3: {  	_ =	task.clear_ibuf [dreg:s7], $0x2FFFF;
	_ =	strace $0x9FFFFFFF  }
0xc4: {  	(tm) =	ssettm $0x7FFFFFFF  }
0xc5: {  	_ =	shalt  }
tec
execute0_lowered:
.L_overlay_start_1:
0x0: {  	(tag) =	ssettag $0x1  }
0x1: {  	s7 =	rddreg [dreg:$0x0]  }
0x2: {  	s9 =	rddreg [dreg:$0x1]  }
0x3: {  	s0 =	srdreg.scid;
	s2 =	rddreg [dreg:$0x2]  }
0x4: {  	s3 =	rddreg [dreg:$0x3];
	s8 =	sand.u32 $0x1, s0;
	s0 =	stileid.u32  }
0x5: {  	s4 =	simm.s32 $0x0;
	s20 =	simm.s32 $0x80;
	s10 =	smul.u32 $0x14000, s0  }
0x6: {  	s21 =	simm.s32 $0x5000;
	s22 =	simm.s32 $0x1;
	s11 =	smul.u32 $0x140000, s8  }
0x7: {  	[smem:$0x7FF] =	sst s4;
	s1 =	sshll.u32 s8, $0x4;
	s13 =	smul.u32 $0x500, s0  }
0x8: {  	s15 =	sshll.u32 s8, $0x7;
	s24 =	smul.u32 $0x50000, s0;
	s26 =	ssub.s32 $0x2, s8  }
0x9: {  	s28 =	smul.u32 $0x280, s0;
	s30 =	sshll.u32 s0, $0x6;
	s5 =	sor.u32 s0, s1  }
0xa: {  	s1 =	rddreg [dreg:$0x4];
	_ =	strace $0x80000047;
	s8 =	sshrl.u32 s26, $0x1  }
0xb: {  	s6 =	smul.u32 $0x500, s5;
	s5 =	sadd.s32 $0x15800, s7;
	s12 =	sshrl.u32 s10, $0x3  }
0xc: {  	s10 =	sadd.s32 s10, s11;
	s23 =	sor.u32 s15, s13;
	s29 =	sshrl.u32 s24, $0x2  }
0xd: {  	s17 =	ssub.s32 s26, s8;
	s8 =	sor.u32 $0x1C02, s30;
	s31 =	sshrl.u32 s28, $0x3  }
0xe: {  	s19 =	sadd.s32 s28, s3;
	s24 =	simm.s32 $0x10;
	s12 =	sadd.s32 s12, s7  }
0xf: {  	s10 =	sshrl.u32 s10, $0x3;
	s11 =	sshrl.u32 s23, $0x3;
	s18 =	sadd.s32 s29, s2  }
0x10: {  	s9 =	sadd.s32 s9, s31;
	s23 =	simm.s32 $0x20;
	s14 =	sadd.s32 s6, s7  }
0x11: {  	s6 =	sadd.s32 $0x64A00, s7;
	s25 =	sadd.s32 s10, s7;
	s16 =	sadd.s32 s11, s7  }
0x12: {  	s7 =	sadd.s32 $0x3CA00, s12;
	s15 =	sshrl.u32 s18, $0x3;
	s18 =	simm.s32 $0x9000  }
0x13: {  	s10 =	sadd.s32 $0x1800, s14;
	s11 =	sadd.s32 $0xB800, s14;
	s12 =	sadd.s32 $0x65600, s25  }
0x14: {  	s13 =	sadd.s32 $0x64C00, s16;
	s14 =	smax.u32 s17, $0x1;
	s16 =	simm.s32 $0x2  }
0x15: {  	s17 =	sshrl.u32 s19, $0x3;
	s19 =	simm.s32 $0x2800;
	s25 =	simm.s32 $0x0  }
.LBB2_1:
0x16: {  	[spmem:s15], [sflag:s8] =	dma.local [hbm:s7], $0x2800  }
0x17: {  	_ =	swait.ge [sflag:s16], $0x2800  }
0x18: {  	[sflag:s16] =	ssyncset.done $0x0  }
0x19: {  	[sflag:s16] =	ssyncadd.s32 $0xFFFFD800  }
0x1a: {  	[spmem:s17], [sflag:s8] =	dma.local [hbm:s9], $0x50  }
0x1b: {  	_ =	swait.ge [sflag:s16], $0x50  }
0x1c: {  	[sflag:s16] =	ssyncset.done $0x0  }
0x1d: {  	[sflag:s16] =	ssyncadd.s32 $0xFFFFFFB0  }
0x1e: {  	[tilespmem:s18], [sflag:$0x2] =	stream.linear.gather [hbm4b:s6+s4], $0x80, $0x38;
	[tilespmem:$0x1D300] =	vst v63  }
0x1f: {  	_ =	swait.ge [sflag:s16], $0x80  }
0x20: {  	[sflag:s16] =	ssyncset.done $0x0  }
0x21: {  	[sflag:s16] =	ssyncadd.s32 $0xFFFFFF80  }
0x22: {  	[tilespmem:s4], [sflag:$0x2] =	stream.linear.gather [hbm4b:s10+s4], $0x2800, $0x38;
	[tilespmem:$0x1D300] =	vst v63  }
0x23: {  	_ =	swait.ge [sflag:s16], $0x2800  }
0x24: {  	[sflag:s16] =	ssyncset.done $0x0  }
0x25: {  	[sflag:s16] =	ssyncadd.s32 $0xFFFFD800  }
0x26: {  	[tilespmem:s19], [sflag:$0x2] =	stream.linear.gather [hbm4b:s11+s4], $0x2800, $0x38;
	[tilespmem:$0x1D300] =	vst v63  }
0x27: {  	_ =	swait.ge [sflag:s16], $0x2800  }
0x28: {  	[sflag:s16] =	ssyncset.done $0x0  }
0x29: {  	[sflag:s16] =	ssyncadd.s32 $0xFFFFD800  }
0x2a: {  	s26 =	simm.s32 $0x0;
	[bflag:$0x0] =	sbarrier.arrive $0xFFFF  }
0x2b: {  	[tilespmem:s21], [sflag:$0x1] =	stream.indirect.gather [hbm4b:s5+s20], $0x80, s26, s20, $0xb8;
	[tilespmem:$0x1D300] =	vst v63  }
0x2c: {  	_ =	swait.ge [sflag:s22], $0x4000  }
0x2d: {  	[sflag:s22] =	ssyncset.done $0x0  }
0x2e: {  	s31 =	simm.s32 $0x2800;
	[sflag:s22] =	ssyncadd.s32 $0xFFFFC000  }
0x2f: {  	[spmem:s2] =	stream.indirect.scatter.add.f32 [tilespmem:s21], [sflag:$0x2], $0x80, s31, s20, $0xb8;
	[tilespmem:$0x1D300] =	vst v63  }
0x30: {  	_ =	swait.ge [sflag:s16], $0x4000  }
0x31: {  	[sflag:s16] =	ssyncset.done $0x0  }
0x32: {  	[sflag:s16] =	ssyncadd.s32 $0xFFFFC000  }
0x33: {  	[spmem:s3] =	stream.indirect.scatter.add.f32 [tilespmem:s18], [sflag:$0x2], $0x1, s31, s20, $0xb8;
	[tilespmem:$0x1D300] =	vst v63  }
0x34: {  	_ =	swait.ge [sflag:s16], $0x80  }
0x35: {  	s28 =	simm.s32 $0x400;
	s26 =	simm.s32 $0x200;
	[sflag:s16] =	ssyncset.done $0x0  }
.LBB2_2:
0x36: {  	s29 =	sshra.s32 s26, $0x2  }
0x37: {  	[sflag:s16] =	ssyncadd.s32 $0xFFFFFF80;
	s26 =	smov.u32 s28;
	s30 =	sadd.s32 $0x200, s28  }
0x38: {  	[tilespmem:s21], [sflag:$0x1] =	stream.indirect.gather [hbm4b:s5+s20], $0x80, s29, s20, $0xb8;
	[tilespmem:$0x1D300] =	vst v63  }
0x39: {  	p0 =	sne.s32 s28, $0x9E00;
	_ =	swait.ge [sflag:s22], $0x4000  }
0x3a: {  	[sflag:s22] =	ssyncset.done $0x0  }
0x3b: {  	s28 =	sadd.s32 $0x2800, s29;
	[sflag:s22] =	ssyncadd.s32 $0xFFFFC000  }
0x3c: {  	[spmem:s2] =	stream.indirect.scatter.add.f32 [tilespmem:s21], [sflag:$0x2], $0x80, s28, s20, $0xb8;
	[tilespmem:$0x1D300] =	vst v63  }
0x3d: {  	_ =	swait.ge [sflag:s16], $0x4000  }
.Ltmp0:
0x3e: {  	[sflag:s16] =	ssyncset.done $0x0;
	(pc) =	sbr.rel @p0 .LBB2_2-.Ltmp0, $4  }
0x3f: {  	[sflag:s16] =	ssyncadd.s32 $0xFFFFC000  }
0x40: {  	[spmem:s3] =	stream.indirect.scatter.add.f32 [tilespmem:s18], [sflag:$0x2], $0x1, s28, s20, $0xb8;
	[tilespmem:$0x1D300] =	vst v63  }
0x41: {  	_ =	swait.ge [sflag:s16], $0x80  }
0x42: {  	s28 =	smov.u32 s30;
	[sflag:s16] =	ssyncset.done $0x0  }
0x43: {  	s26 =	sshra.s32 s26, $0x2;
	[sflag:s16] =	ssyncadd.s32 $0xFFFFFF80  }
0x44: {  	[tilespmem:s21], [sflag:$0x1] =	stream.indirect.gather [hbm4b:s5+s20], $0x80, s26, s20, $0xb8;
	[tilespmem:$0x1D300] =	vst v63  }
0x45: {  	_ =	swait.ge [sflag:s22], $0x4000  }
0x46: {  	[sflag:s22] =	ssyncset.done $0x0  }
0x47: {  	s26 =	sadd.s32 $0x2800, s26;
	[sflag:s22] =	ssyncadd.s32 $0xFFFFC000  }
0x48: {  	[spmem:s2] =	stream.indirect.scatter.add.f32 [tilespmem:s21], [sflag:$0x2], $0x80, s26, s20, $0xb8;
	[tilespmem:$0x1D300] =	vst v63  }
0x49: {  	_ =	swait.ge [sflag:s16], $0x4000  }
0x4a: {  	[sflag:s16] =	ssyncset.done $0x0  }
0x4b: {  	[sflag:s16] =	ssyncadd.s32 $0xFFFFC000  }
0x4c: {  	[spmem:s3] =	stream.indirect.scatter.add.f32 [tilespmem:s18], [sflag:$0x2], $0x1, s26, s20, $0xb8;
	[tilespmem:$0x1D300] =	vst v63  }
0x4d: {  	_ =	swait.ge [sflag:s16], $0x80  }
0x4e: {  	[sflag:s16] =	ssyncset.done $0x0  }
0x4f: {  	[sflag:s16] =	ssyncadd.s32 $0xFFFFFF80  }
0x50: {  	[bflag:$0x0] =	sbarrier.arrive $0xFFFF  }
0x51: {  	[hbm:s12], [sflag:s8] =	dma.local [spmem:s15], $0x2800  }
0x52: {  	s25 =	sadd.s32 $0x1, s25;
	_ =	swait.ge [sflag:s16], $0x2800  }
0x53: {  	p0 =	sne.s32 s25, s14;
	[sflag:s16] =	ssyncset.done $0x0  }
.Ltmp1:
0x54: {  	[sflag:s16] =	ssyncadd.s32 $0xFFFFD800;
	(pc) =	sbr.rel @p0 .LBB2_1-.Ltmp1, $4  }
0x55: {  	[hbm:s13@s23], [sflag:s8] =	dma.strided [spmem:s17@s24], $0x50, s22, $0x10   }
0x56: {  	_ =	swait.ge [sflag:s16], $0x50  }
0x57: {  	[sflag:s16] =	ssyncset.done $0x0  }
0x58: {  	[sflag:s16] =	ssyncadd.s32 $0xFFFFFFB0  }
0x59: {  	_ =	sfence.sel $0x180000  }
0x5a: {  	[bflag:$0x0] =	sbarrier.arrive $0xFFFF  }
0x5b: {  	p0 =	sne.s32 s0, $0x0;
	_ =	strace $0x90000047  }
0x5c: {  	s0 =	sadd.s32 @!p0 $0x100000, s1;
	[bflag:$0x2] =	sbarrier.arrive $0xFFFF  }
0x5d: {  	[sflag:s0] =	ssyncadd.tile.s32 @!p0 $0x1;
	_ =	shalt  }
.Lfunc_end2:
_tile_overlayer_lowered:
.L_overlay_start_2:
0x5e: {  	(tag) =	ssettag $0x2  }
0x5f: {  	s0 =	rddreg [dreg:$0x0];
	s2 =	stileid.u32  }
0x60: {  	s1 =	rddreg [dreg:$0x1];
	p0 =	sne.s32 s2, $0x0  }
0x61: {  	s3 =	rddreg [dreg:$0x2];
	[bflag:$0x3] =	sbarrier.arrive $0xFFFF;
	s2 =	simm.s32 @!p0 $0x1C02  }
0x62: {  	[timem:s3], [sflag:s2] =	dma.local @!p0 [hbm:s0], s1  }
0x63: {  	s0 =	simm.s32 @!p0 $0x2  }
0x64: {  	_ =	swait.ge @!p0 [sflag:s0], s1  }
0x65: {  	s1 =	ssub.s32 @!p0 $0x0, s1;
	[sflag:s0] =	ssyncset.done @!p0 $0x0  }
0x66: {  	[sflag:s0] =	ssyncadd.s32 @!p0 s1  }
0x67: {  	[bflag:$0x3] =	sbarrier.arrive $0xFFFF  }
0x68: {  	_ =	shalt  }

</sc_bundles>
